<compile_context>
chip_gen: v7x
topology: tpu7x:2x2x1
jax: 0.10.2.dev20260603
libtpu: 0.0.44.dev20260713+nightly
codegen_flags: <defaults>
</compile_context>

<pallas_src>
import functools

import jax
import jax.numpy as jnp
from jax import lax
from jax.experimental import pallas as pl
from jax.experimental.pallas import tpu as pltpu
from jax.experimental.pallas import tpu_sc as plsc

_B = 16384
_D = 128
_NC = 2
_NS = 16
_NW = _NC * _NS
_CH = 128

_SPLIT = 2
_BS = _B // _SPLIT
_BPW = _BS // _NW
_NCH = _BPW // _CH
_NJ = 2 * _NCH

_EO = 300
_EOP = 384
_RB = 4096
_NRB = _BS // _RB
_TCH = 256


def _gather_body(row0_base, utab, itab, uidx, iidx, out_u, out_v, *rest):
    uidx_v, iidx_v = rest[0], rest[1]
    bufs = rest[2:2 + _NJ]
    gsem = rest[2 + _NJ:2 + 2 * _NJ]
    osem = rest[2 + 2 * _NJ:2 + 3 * _NJ]
    wid = lax.axis_index("s") * _NC + lax.axis_index("c")
    row0 = row0_base + wid * _NCH
    iu = pltpu.async_copy(uidx.at[pl.ds(row0, _NCH)], uidx_v, gsem[0])
    ii = pltpu.async_copy(iidx.at[pl.ds(row0, _NCH)], iidx_v, osem[0])
    iu.wait()
    ii.wait()
    base = wid * _BPW
    jobs = ([(utab, uidx_v, out_u, j) for j in range(_NCH)]
            + [(itab, iidx_v, out_v, j) for j in range(_NCH)])
    gathers = [
        pltpu.async_copy(tab.at[idxv.at[j]], bufs[k], gsem[k])
        for k, (tab, idxv, _, j) in enumerate(jobs)
    ]
    outs = []
    for k, (_, _, out, j) in enumerate(jobs):
        gathers[k].wait()
        outs.append(pltpu.async_copy(
            bufs[k], out.at[pl.ds(base + j * _CH, _CH)], osem[k]))
    for o in outs:
        o.wait()


@functools.cache
def _make_gather(row0_base):
    return functools.partial(
        pl.kernel,
        mesh=plsc.VectorSubcoreMesh(core_axis_name="c", subcore_axis_name="s"),
        out_type=[jax.ShapeDtypeStruct((_BS, _D), jnp.float32),
                  jax.ShapeDtypeStruct((_BS, _D), jnp.float32)],
        scratch_types=(
            [pltpu.VMEM((_NCH, _CH), jnp.int32)] * 2
            + [pltpu.VMEM((_CH, _D), jnp.float32)] * _NJ
            + [pltpu.SemaphoreType.DMA] * (2 * _NJ)
        ),
    )(functools.partial(_gather_body, row0_base))


def _dense_body(ue_ref, ve_ref, w_ref, b_ref, eye_ref, *rest):
    out_ref = rest[-1]
    u = jnp.dot(ue_ref[...], w_ref[...],
                preferred_element_type=jnp.float32) + b_ref[...]
    v = jnp.dot(ve_ref[...], w_ref[...],
                preferred_element_type=jnp.float32) + b_ref[...]
    u = jnp.maximum(u, 0.0)
    v = jnp.maximum(v, 0.0)
    num = jnp.sum(u * v, axis=1, keepdims=True)
    den = jnp.sqrt(jnp.sum(u * u, axis=1, keepdims=True)
                   * jnp.sum(v * v, axis=1, keepdims=True))
    s_col = num / jnp.maximum(den, 1e-8)
    hi = s_col.astype(jnp.bfloat16).astype(jnp.float32)
    lo = s_col - hi
    eye = eye_ref[...]
    rows = [
        (jax.lax.dot_general(
            hi[i * _TCH:(i + 1) * _TCH, :], eye,
            (((0,), (0,)), ((), ())),
            preferred_element_type=jnp.float32)
         + jax.lax.dot_general(
            lo[i * _TCH:(i + 1) * _TCH, :], eye,
            (((0,), (0,)), ((), ())),
            preferred_element_type=jnp.float32)).reshape(2, _CH)
        for i in range(_RB // _TCH)
    ]
    out_ref[...] = jnp.concatenate(rows, axis=0)


@functools.cache
def _make_dense(block0, aliased):
    rpb = _RB // _CH
    in_specs = [
        pl.BlockSpec((_RB, _D), lambda i: (i, 0)),
        pl.BlockSpec((_RB, _D), lambda i: (i, 0)),
        pl.BlockSpec((_D, _EOP), lambda i: (0, 0)),
        pl.BlockSpec((1, _EOP), lambda i: (0, 0)),
        pl.BlockSpec((_TCH, _TCH), lambda i: (0, 0)),
    ]
    if aliased:
        in_specs.append(pl.BlockSpec(memory_space=pl.ANY))
    return pl.pallas_call(
        _dense_body,
        grid=(_NRB,),
        in_specs=in_specs,
        out_specs=pl.BlockSpec((rpb, _CH), lambda i: (i + block0, 0)),
        out_shape=jax.ShapeDtypeStruct((_B // _CH, _CH), jnp.float32),
        input_output_aliases={5: 0} if aliased else {},
        compiler_params=pltpu.CompilerParams(
            dimension_semantics=("parallel",)),
    )


def kernel(user_indices, item_indices, user_table, item_table, W, b):
    uidx = user_indices.astype(jnp.int32).reshape(_B // _CH, _CH)
    iidx = item_indices.astype(jnp.int32).reshape(_B // _CH, _CH)
    wp = jnp.pad(W, ((0, 0), (0, _EOP - _EO)))
    bp = jnp.pad(b, (0, _EOP - _EO)).reshape(1, _EOP)
    eye = jnp.eye(_TCH, dtype=jnp.float32)
    embeds = [_make_gather(s * (_BS // _CH))(user_table, item_table,
                                             uidx, iidx)
              for s in range(_SPLIT)]
    scores = None
    for s, (ue, ve) in enumerate(embeds):
        block0 = s * _NRB
        if scores is None:
            scores = _make_dense(block0, False)(ue, ve, wp, bp, eye)
        else:
            scores = _make_dense(block0, True)(ue, ve, wp, bp, eye, scores)
    return scores.reshape(_B)

# --- scband reference (transcript-rebuilt; emitter-appended) ---
"""Pipeline reference for scband-shallow-embedding-model-44040594653738 (READ-ONLY COPY).

The authoritative reference and input builder live on the scoring server;
editing this copy changes nothing except your own understanding.
"""

import jax, jax.numpy as jnp
import numpy as np

NUM_USERS = 1000000
NUM_ITEMS = 1000000
EMB_IN = 128
EMB_OUT = 300
BATCH = 16384

def setup_inputs(seed: int = 0) -> dict:
    key = jax.random.key(seed)
    k1, k2, k3, k4, k5, k6 = jax.random.split(key, 6)
    user_indices = jax.random.randint(k1, (BATCH,), 0, NUM_USERS, dtype=jnp.int64 if jax.config.jax_enable_x64 else jnp.int32)
    item_indices = jax.random.randint(k2, (BATCH,), 0, NUM_ITEMS, dtype=jnp.int64 if jax.config.jax_enable_x64 else jnp.int32)
    user_table = jax.random.normal(k3, (NUM_USERS, EMB_IN), dtype=jnp.float32) * 0.02
    item_table = jax.random.normal(k4, (NUM_ITEMS, EMB_IN), dtype=jnp.float32) * 0.02
    W = jax.random.normal(k5, (EMB_IN, EMB_OUT), dtype=jnp.float32) * (1.0 / np.sqrt(EMB_IN))
    b = jnp.zeros((EMB_OUT,), dtype=jnp.float32)
    return {"user_indices": user_indices, "item_indices": item_indices,
            "user_table": user_table, "item_table": item_table, "W": W, "b": b}

def reference(user_indices, item_indices, user_table, item_table, W, b):
    # embedding lookups (gather)
    user_embeds = jnp.take(user_table, user_indices, axis=0)
    item_embeds = jnp.take(item_table, item_indices, axis=0)
    # shared MLP: Linear + ReLU
    u = jax.nn.relu(user_embeds @ W + b)
    v = jax.nn.relu(item_embeds @ W + b)
    # torch CosineSimilarity(dim=1, eps=1e-8)
    num = jnp.sum(u * v, axis=1)
    denom = jnp.maximum(jnp.linalg.norm(u, axis=1) * jnp.linalg.norm(v, axis=1), 1e-8)
    scores = num / denom
    return scores

if __name__ == "__main__":
    import jax
    _d = setup_inputs()
    print(jax.jit(kernel)(*tuple(_d.values())))

</pallas_src>

<mosaic_0001>
#map = affine_map<(d0, d1) -> (0, 0)>
module attributes {stable_mosaic.version = 14 : i64} {
  func.func @_gather_body(%arg0: i32, %arg1: i32, %arg2: memref<1000000x128xf32, #tpu.memory_space<hbm>>, %arg3: memref<1000000x128xf32, #tpu.memory_space<hbm>>, %arg4: memref<128x128xi32, #tpu.memory_space<hbm>>, %arg5: memref<128x128xi32, #tpu.memory_space<hbm>>, %arg6: memref<8192x128xf32, #tpu.memory_space<hbm>>, %arg7: memref<8192x128xf32, #tpu.memory_space<hbm>>, %arg8: memref<2x128xi32, #tpu.memory_space<vmem>>, %arg9: memref<2x128xi32, #tpu.memory_space<vmem>>, %arg10: memref<128x128xf32, #tpu.memory_space<vmem>>, %arg11: memref<128x128xf32, #tpu.memory_space<vmem>>, %arg12: memref<128x128xf32, #tpu.memory_space<vmem>>, %arg13: memref<128x128xf32, #tpu.memory_space<vmem>>, %arg14: memref<!tpu.dma_semaphore, #tpu.memory_space<semaphore_mem>>, %arg15: memref<!tpu.dma_semaphore, #tpu.memory_space<semaphore_mem>>, %arg16: memref<!tpu.dma_semaphore, #tpu.memory_space<semaphore_mem>>, %arg17: memref<!tpu.dma_semaphore, #tpu.memory_space<semaphore_mem>>, %arg18: memref<!tpu.dma_semaphore, #tpu.memory_space<semaphore_mem>>, %arg19: memref<!tpu.dma_semaphore, #tpu.memory_space<semaphore_mem>>, %arg20: memref<!tpu.dma_semaphore, #tpu.memory_space<semaphore_mem>>, %arg21: memref<!tpu.dma_semaphore, #tpu.memory_space<semaphore_mem>>) attributes {dimension_semantics = [#tpu.dimension_semantics<core_parallel>, #tpu.dimension_semantics<subcore_parallel>], iteration_bounds = array<i64: 2, 16>, scalar_prefetch = 0 : i64, scratch_operands = 14 : i64, tpu.core_type = #tpu.core_type<sc_vector_subcore>, window_params = [{transform_indices = #map}, {transform_indices = #map}, {transform_indices = #map}, {transform_indices = #map}, {transform_indices = #map}, {transform_indices = #map}]} {
    %mul3A = arith.constant 2 : i32
    %mul3A_0 = arith.muli %arg1, %mul3A : i32
    %add3A = arith.addi %mul3A_0, %arg0 : i32
    %mul3A_1 = arith.constant 2 : i32
    %mul3A_2 = arith.muli %add3A, %mul3A_1 : i32
    %add3A_3 = arith.constant 0 : i32
    %add3A_4 = arith.addi %add3A_3, %mul3A_2 : i32
    %dma_start3A = arith.constant 0 : i32
    %dma_start3A_5 = tpu.memref_slice %arg4[%add3A_4, %dma_start3A] : memref<128x128xi32, #tpu.memory_space<hbm>> -> memref<2x128xi32, #tpu.memory_space<hbm>>
    %dma_start3A_6 = arith.constant 0 : i32
    %dma_start3A_7 = tpu.memref_slice %arg4[%add3A_4, %dma_start3A_6] : memref<128x128xi32, #tpu.memory_space<hbm>> -> memref<2x128xi32, #tpu.memory_space<hbm>>
    tpu.enqueue_dma source(%dma_start3A_7 : memref<2x128xi32, #tpu.memory_space<hbm>>) target(%arg8 : memref<2x128xi32, #tpu.memory_space<vmem>>) target_semaphore(%arg14 : memref<!tpu.dma_semaphore, #tpu.memory_space<semaphore_mem>>)
    %dma_start3A_8 = arith.constant 0 : i32
    %dma_start3A_9 = tpu.memref_slice %arg5[%add3A_4, %dma_start3A_8] : memref<128x128xi32, #tpu.memory_space<hbm>> -> memref<2x128xi32, #tpu.memory_space<hbm>>
    %dma_start3A_10 = arith.constant 0 : i32
    %dma_start3A_11 = tpu.memref_slice %arg5[%add3A_4, %dma_start3A_10] : memref<128x128xi32, #tpu.memory_space<hbm>> -> memref<2x128xi32, #tpu.memory_space<hbm>>
    tpu.enqueue_dma source(%dma_start3A_11 : memref<2x128xi32, #tpu.memory_space<hbm>>) target(%arg9 : memref<2x128xi32, #tpu.memory_space<vmem>>) target_semaphore(%arg18 : memref<!tpu.dma_semaphore, #tpu.memory_space<semaphore_mem>>)
    %dma_wait3A = arith.constant 0 : i32
    %dma_wait3A_12 = tpu.memref_slice %arg4[%add3A_4, %dma_wait3A] : memref<128x128xi32, #tpu.memory_space<hbm>> -> memref<2x128xi32, #tpu.memory_space<hbm>>
    %dma_wait3A_13 = arith.constant 0 : i32
    %dma_wait3A_14 = tpu.memref_slice %arg4[%add3A_4, %dma_wait3A_13] : memref<128x128xi32, #tpu.memory_space<hbm>> -> memref<2x128xi32, #tpu.memory_space<hbm>>
    tpu.wait_dma2 semaphore(%arg14 : memref<!tpu.dma_semaphore, #tpu.memory_space<semaphore_mem>>) src(%dma_wait3A_14 : memref<2x128xi32, #tpu.memory_space<hbm>>) dst(%arg8 : memref<2x128xi32, #tpu.memory_space<vmem>>)
    %dma_wait3A_15 = arith.constant 0 : i32
    %dma_wait3A_16 = tpu.memref_slice %arg5[%add3A_4, %dma_wait3A_15] : memref<128x128xi32, #tpu.memory_space<hbm>> -> memref<2x128xi32, #tpu.memory_space<hbm>>
    %dma_wait3A_17 = arith.constant 0 : i32
    %dma_wait3A_18 = tpu.memref_slice %arg5[%add3A_4, %dma_wait3A_17] : memref<128x128xi32, #tpu.memory_space<hbm>> -> memref<2x128xi32, #tpu.memory_space<hbm>>
    tpu.wait_dma2 semaphore(%arg18 : memref<!tpu.dma_semaphore, #tpu.memory_space<semaphore_mem>>) src(%dma_wait3A_18 : memref<2x128xi32, #tpu.memory_space<hbm>>) dst(%arg9 : memref<2x128xi32, #tpu.memory_space<vmem>>)
    %mul3A_19 = arith.constant 256 : i32
    %mul3A_20 = arith.muli %add3A, %mul3A_19 : i32
    %dma_start3A_21 = arith.constant 0 : i32
    %dma_start3A_22 = arith.constant 0 : i32
    %dma_start3A_23 = tpu.memref_slice %arg8[%dma_start3A_21, %dma_start3A_22] : memref<2x128xi32, #tpu.memory_space<vmem>> -> memref<1x128xi32, #tpu.memory_space<vmem>>
    %dma_start3A_24 = tpu.memref_squeeze %dma_start3A_23 : memref<1x128xi32, #tpu.memory_space<vmem>> -> memref<128xi32, #tpu.memory_space<vmem>>
    %dma_start3A_25 = arith.constant 0 : i32
    %dma_start3A_26 = arith.constant 0 : i32
    %dma_start3A_27 = tpu.memref_slice %arg2[%dma_start3A_25, %dma_start3A_26] : memref<1000000x128xf32, #tpu.memory_space<hbm>> -> memref<1000000x128xf32, #tpu.memory_space<hbm>>
    tpu.enqueue_indirect_dma source(%dma_start3A_27 : memref<1000000x128xf32, #tpu.memory_space<hbm>>) target(%arg10 : memref<128x128xf32, #tpu.memory_space<vmem>>) offsets(%dma_start3A_24 : memref<128xi32, #tpu.memory_space<vmem>>) semaphore(%arg14 : memref<!tpu.dma_semaphore, #tpu.memory_space<semaphore_mem>>)
    %dma_start3A_28 = arith.constant 1 : i32
    %dma_start3A_29 = arith.constant 0 : i32
    %dma_start3A_30 = tpu.memref_slice %arg8[%dma_start3A_28, %dma_start3A_29] : memref<2x128xi32, #tpu.memory_space<vmem>> -> memref<1x128xi32, #tpu.memory_space<vmem>>
    %dma_start3A_31 = tpu.memref_squeeze %dma_start3A_30 : memref<1x128xi32, #tpu.memory_space<vmem>> -> memref<128xi32, #tpu.memory_space<vmem>>
    %dma_start3A_32 = arith.constant 0 : i32
    %dma_start3A_33 = arith.constant 0 : i32
    %dma_start3A_34 = tpu.memref_slice %arg2[%dma_start3A_32, %dma_start3A_33] : memref<1000000x128xf32, #tpu.memory_space<hbm>> -> memref<1000000x128xf32, #tpu.memory_space<hbm>>
    tpu.enqueue_indirect_dma source(%dma_start3A_34 : memref<1000000x128xf32, #tpu.memory_space<hbm>>) target(%arg11 : memref<128x128xf32, #tpu.memory_space<vmem>>) offsets(%dma_start3A_31 : memref<128xi32, #tpu.memory_space<vmem>>) semaphore(%arg15 : memref<!tpu.dma_semaphore, #tpu.memory_space<semaphore_mem>>)
    %dma_start3A_35 = arith.constant 0 : i32
    %dma_start3A_36 = arith.constant 0 : i32
    %dma_start3A_37 = tpu.memref_slice %arg9[%dma_start3A_35, %dma_start3A_36] : memref<2x128xi32, #tpu.memory_space<vmem>> -> memref<1x128xi32, #tpu.memory_space<vmem>>
    %dma_start3A_38 = tpu.memref_squeeze %dma_start3A_37 : memref<1x128xi32, #tpu.memory_space<vmem>> -> memref<128xi32, #tpu.memory_space<vmem>>
    %dma_start3A_39 = arith.constant 0 : i32
    %dma_start3A_40 = arith.constant 0 : i32
    %dma_start3A_41 = tpu.memref_slice %arg3[%dma_start3A_39, %dma_start3A_40] : memref<1000000x128xf32, #tpu.memory_space<hbm>> -> memref<1000000x128xf32, #tpu.memory_space<hbm>>
    tpu.enqueue_indirect_dma source(%dma_start3A_41 : memref<1000000x128xf32, #tpu.memory_space<hbm>>) target(%arg12 : memref<128x128xf32, #tpu.memory_space<vmem>>) offsets(%dma_start3A_38 : memref<128xi32, #tpu.memory_space<vmem>>) semaphore(%arg16 : memref<!tpu.dma_semaphore, #tpu.memory_space<semaphore_mem>>)
    %dma_start3A_42 = arith.constant 1 : i32
    %dma_start3A_43 = arith.constant 0 : i32
    %dma_start3A_44 = tpu.memref_slice %arg9[%dma_start3A_42, %dma_start3A_43] : memref<2x128xi32, #tpu.memory_space<vmem>> -> memref<1x128xi32, #tpu.memory_space<vmem>>
    %dma_start3A_45 = tpu.memref_squeeze %dma_start3A_44 : memref<1x128xi32, #tpu.memory_space<vmem>> -> memref<128xi32, #tpu.memory_space<vmem>>
    %dma_start3A_46 = arith.constant 0 : i32
    %dma_start3A_47 = arith.constant 0 : i32
    %dma_start3A_48 = tpu.memref_slice %arg3[%dma_start3A_46, %dma_start3A_47] : memref<1000000x128xf32, #tpu.memory_space<hbm>> -> memref<1000000x128xf32, #tpu.memory_space<hbm>>
    tpu.enqueue_indirect_dma source(%dma_start3A_48 : memref<1000000x128xf32, #tpu.memory_space<hbm>>) target(%arg13 : memref<128x128xf32, #tpu.memory_space<vmem>>) offsets(%dma_start3A_45 : memref<128xi32, #tpu.memory_space<vmem>>) semaphore(%arg17 : memref<!tpu.dma_semaphore, #tpu.memory_space<semaphore_mem>>)
    %dma_wait3A_49 = arith.constant 0 : i32
    %dma_wait3A_50 = arith.constant 0 : i32
    %dma_wait3A_51 = tpu.memref_slice %arg8[%dma_wait3A_49, %dma_wait3A_50] : memref<2x128xi32, #tpu.memory_space<vmem>> -> memref<1x128xi32, #tpu.memory_space<vmem>>
    %dma_wait3A_52 = tpu.memref_squeeze %dma_wait3A_51 : memref<1x128xi32, #tpu.memory_space<vmem>> -> memref<128xi32, #tpu.memory_space<vmem>>
    %dma_wait3A_53 = arith.constant 0 : i32
    %dma_wait3A_54 = arith.constant 0 : i32
    %dma_wait3A_55 = tpu.memref_slice %arg2[%dma_wait3A_53, %dma_wait3A_54] : memref<1000000x128xf32, #tpu.memory_space<hbm>> -> memref<1000000x128xf32, #tpu.memory_space<hbm>>
    tpu.wait_indirect_dma semaphore(%arg14 : memref<!tpu.dma_semaphore, #tpu.memory_space<semaphore_mem>>) src(%dma_wait3A_55 : memref<1000000x128xf32, #tpu.memory_space<hbm>>) dst(%arg10 : memref<128x128xf32, #tpu.memory_space<vmem>>)
    %add3A_56 = arith.constant 0 : i32
    %add3A_57 = arith.addi %mul3A_20, %add3A_56 : i32
    %dma_start3A_58 = arith.constant 0 : i32
    %dma_start3A_59 = tpu.memref_slice %arg6[%add3A_57, %dma_start3A_58] : memref<8192x128xf32, #tpu.memory_space<hbm>> -> memref<128x128xf32, #tpu.memory_space<hbm>>
    %dma_start3A_60 = arith.constant 0 : i32
    %dma_start3A_61 = tpu.memref_slice %arg6[%add3A_57, %dma_start3A_60] : memref<8192x128xf32, #tpu.memory_space<hbm>> -> memref<128x128xf32, #tpu.memory_space<hbm>>
    tpu.enqueue_dma source(%arg10 : memref<128x128xf32, #tpu.memory_space<vmem>>) target(%dma_start3A_61 : memref<128x128xf32, #tpu.memory_space<hbm>>) target_semaphore(%arg18 : memref<!tpu.dma_semaphore, #tpu.memory_space<semaphore_mem>>)
    %dma_wait3A_62 = arith.constant 1 : i32
    %dma_wait3A_63 = arith.constant 0 : i32
    %dma_wait3A_64 = tpu.memref_slice %arg8[%dma_wait3A_62, %dma_wait3A_63] : memref<2x128xi32, #tpu.memory_space<vmem>> -> memref<1x128xi32, #tpu.memory_space<vmem>>
    %dma_wait3A_65 = tpu.memref_squeeze %dma_wait3A_64 : memref<1x128xi32, #tpu.memory_space<vmem>> -> memref<128xi32, #tpu.memory_space<vmem>>
    %dma_wait3A_66 = arith.constant 0 : i32
    %dma_wait3A_67 = arith.constant 0 : i32
    %dma_wait3A_68 = tpu.memref_slice %arg2[%dma_wait3A_66, %dma_wait3A_67] : memref<1000000x128xf32, #tpu.memory_space<hbm>> -> memref<1000000x128xf32, #tpu.memory_space<hbm>>
    tpu.wait_indirect_dma semaphore(%arg15 : memref<!tpu.dma_semaphore, #tpu.memory_space<semaphore_mem>>) src(%dma_wait3A_68 : memref<1000000x128xf32, #tpu.memory_space<hbm>>) dst(%arg11 : memref<128x128xf32, #tpu.memory_space<vmem>>)
    %add3A_69 = arith.constant 128 : i32
    %add3A_70 = arith.addi %mul3A_20, %add3A_69 : i32
    %dma_start3A_71 = arith.constant 0 : i32
    %dma_start3A_72 = tpu.memref_slice %arg6[%add3A_70, %dma_start3A_71] : memref<8192x128xf32, #tpu.memory_space<hbm>> -> memref<128x128xf32, #tpu.memory_space<hbm>>
    %dma_start3A_73 = arith.constant 0 : i32
    %dma_start3A_74 = tpu.memref_slice %arg6[%add3A_70, %dma_start3A_73] : memref<8192x128xf32, #tpu.memory_space<hbm>> -> memref<128x128xf32, #tpu.memory_space<hbm>>
    tpu.enqueue_dma source(%arg11 : memref<128x128xf32, #tpu.memory_space<vmem>>) target(%dma_start3A_74 : memref<128x128xf32, #tpu.memory_space<hbm>>) target_semaphore(%arg19 : memref<!tpu.dma_semaphore, #tpu.memory_space<semaphore_mem>>)
    %dma_wait3A_75 = arith.constant 0 : i32
    %dma_wait3A_76 = arith.constant 0 : i32
    %dma_wait3A_77 = tpu.memref_slice %arg9[%dma_wait3A_75, %dma_wait3A_76] : memref<2x128xi32, #tpu.memory_space<vmem>> -> memref<1x128xi32, #tpu.memory_space<vmem>>
    %dma_wait3A_78 = tpu.memref_squeeze %dma_wait3A_77 : memref<1x128xi32, #tpu.memory_space<vmem>> -> memref<128xi32, #tpu.memory_space<vmem>>
    %dma_wait3A_79 = arith.constant 0 : i32
    %dma_wait3A_80 = arith.constant 0 : i32
    %dma_wait3A_81 = tpu.memref_slice %arg3[%dma_wait3A_79, %dma_wait3A_80] : memref<1000000x128xf32, #tpu.memory_space<hbm>> -> memref<1000000x128xf32, #tpu.memory_space<hbm>>
    tpu.wait_indirect_dma semaphore(%arg16 : memref<!tpu.dma_semaphore, #tpu.memory_space<semaphore_mem>>) src(%dma_wait3A_81 : memref<1000000x128xf32, #tpu.memory_space<hbm>>) dst(%arg12 : memref<128x128xf32, #tpu.memory_space<vmem>>)
    %add3A_82 = arith.constant 0 : i32
    %add3A_83 = arith.addi %mul3A_20, %add3A_82 : i32
    %dma_start3A_84 = arith.constant 0 : i32
    %dma_start3A_85 = tpu.memref_slice %arg7[%add3A_83, %dma_start3A_84] : memref<8192x128xf32, #tpu.memory_space<hbm>> -> memref<128x128xf32, #tpu.memory_space<hbm>>
    %dma_start3A_86 = arith.constant 0 : i32
    %dma_start3A_87 = tpu.memref_slice %arg7[%add3A_83, %dma_start3A_86] : memref<8192x128xf32, #tpu.memory_space<hbm>> -> memref<128x128xf32, #tpu.memory_space<hbm>>
    tpu.enqueue_dma source(%arg12 : memref<128x128xf32, #tpu.memory_space<vmem>>) target(%dma_start3A_87 : memref<128x128xf32, #tpu.memory_space<hbm>>) target_semaphore(%arg20 : memref<!tpu.dma_semaphore, #tpu.memory_space<semaphore_mem>>)
    %dma_wait3A_88 = arith.constant 1 : i32
    %dma_wait3A_89 = arith.constant 0 : i32
    %dma_wait3A_90 = tpu.memref_slice %arg9[%dma_wait3A_88, %dma_wait3A_89] : memref<2x128xi32, #tpu.memory_space<vmem>> -> memref<1x128xi32, #tpu.memory_space<vmem>>
    %dma_wait3A_91 = tpu.memref_squeeze %dma_wait3A_90 : memref<1x128xi32, #tpu.memory_space<vmem>> -> memref<128xi32, #tpu.memory_space<vmem>>
    %dma_wait3A_92 = arith.constant 0 : i32
    %dma_wait3A_93 = arith.constant 0 : i32
    %dma_wait3A_94 = tpu.memref_slice %arg3[%dma_wait3A_92, %dma_wait3A_93] : memref<1000000x128xf32, #tpu.memory_space<hbm>> -> memref<1000000x128xf32, #tpu.memory_space<hbm>>
    tpu.wait_indirect_dma semaphore(%arg17 : memref<!tpu.dma_semaphore, #tpu.memory_space<semaphore_mem>>) src(%dma_wait3A_94 : memref<1000000x128xf32, #tpu.memory_space<hbm>>) dst(%arg13 : memref<128x128xf32, #tpu.memory_space<vmem>>)
    %add3A_95 = arith.constant 128 : i32
    %add3A_96 = arith.addi %mul3A_20, %add3A_95 : i32
    %dma_start3A_97 = arith.constant 0 : i32
    %dma_start3A_98 = tpu.memref_slice %arg7[%add3A_96, %dma_start3A_97] : memref<8192x128xf32, #tpu.memory_space<hbm>> -> memref<128x128xf32, #tpu.memory_space<hbm>>
    %dma_start3A_99 = arith.constant 0 : i32
    %dma_start3A_100 = tpu.memref_slice %arg7[%add3A_96, %dma_start3A_99] : memref<8192x128xf32, #tpu.memory_space<hbm>> -> memref<128x128xf32, #tpu.memory_space<hbm>>
    tpu.enqueue_dma source(%arg13 : memref<128x128xf32, #tpu.memory_space<vmem>>) target(%dma_start3A_100 : memref<128x128xf32, #tpu.memory_space<hbm>>) target_semaphore(%arg21 : memref<!tpu.dma_semaphore, #tpu.memory_space<semaphore_mem>>)
    %dma_wait3A_101 = arith.constant 0 : i32
    %dma_wait3A_102 = tpu.memref_slice %arg6[%add3A_57, %dma_wait3A_101] : memref<8192x128xf32, #tpu.memory_space<hbm>> -> memref<128x128xf32, #tpu.memory_space<hbm>>
    %dma_wait3A_103 = arith.constant 0 : i32
    %dma_wait3A_104 = tpu.memref_slice %arg6[%add3A_57, %dma_wait3A_103] : memref<8192x128xf32, #tpu.memory_space<hbm>> -> memref<128x128xf32, #tpu.memory_space<hbm>>
    tpu.wait_dma2 semaphore(%arg18 : memref<!tpu.dma_semaphore, #tpu.memory_space<semaphore_mem>>) src(%arg10 : memref<128x128xf32, #tpu.memory_space<vmem>>) dst(%dma_wait3A_104 : memref<128x128xf32, #tpu.memory_space<hbm>>)
    %dma_wait3A_105 = arith.constant 0 : i32
    %dma_wait3A_106 = tpu.memref_slice %arg6[%add3A_70, %dma_wait3A_105] : memref<8192x128xf32, #tpu.memory_space<hbm>> -> memref<128x128xf32, #tpu.memory_space<hbm>>
    %dma_wait3A_107 = arith.constant 0 : i32
    %dma_wait3A_108 = tpu.memref_slice %arg6[%add3A_70, %dma_wait3A_107] : memref<8192x128xf32, #tpu.memory_space<hbm>> -> memref<128x128xf32, #tpu.memory_space<hbm>>
    tpu.wait_dma2 semaphore(%arg19 : memref<!tpu.dma_semaphore, #tpu.memory_space<semaphore_mem>>) src(%arg11 : memref<128x128xf32, #tpu.memory_space<vmem>>) dst(%dma_wait3A_108 : memref<128x128xf32, #tpu.memory_space<hbm>>)
    %dma_wait3A_109 = arith.constant 0 : i32
    %dma_wait3A_110 = tpu.memref_slice %arg7[%add3A_83, %dma_wait3A_109] : memref<8192x128xf32, #tpu.memory_space<hbm>> -> memref<128x128xf32, #tpu.memory_space<hbm>>
    %dma_wait3A_111 = arith.constant 0 : i32
    %dma_wait3A_112 = tpu.memref_slice %arg7[%add3A_83, %dma_wait3A_111] : memref<8192x128xf32, #tpu.memory_space<hbm>> -> memref<128x128xf32, #tpu.memory_space<hbm>>
    tpu.wait_dma2 semaphore(%arg20 : memref<!tpu.dma_semaphore, #tpu.memory_space<semaphore_mem>>) src(%arg12 : memref<128x128xf32, #tpu.memory_space<vmem>>) dst(%dma_wait3A_112 : memref<128x128xf32, #tpu.memory_space<hbm>>)
    %dma_wait3A_113 = arith.constant 0 : i32
    %dma_wait3A_114 = tpu.memref_slice %arg7[%add3A_96, %dma_wait3A_113] : memref<8192x128xf32, #tpu.memory_space<hbm>> -> memref<128x128xf32, #tpu.memory_space<hbm>>
    %dma_wait3A_115 = arith.constant 0 : i32
    %dma_wait3A_116 = tpu.memref_slice %arg7[%add3A_96, %dma_wait3A_115] : memref<8192x128xf32, #tpu.memory_space<hbm>> -> memref<128x128xf32, #tpu.memory_space<hbm>>
    tpu.wait_dma2 semaphore(%arg21 : memref<!tpu.dma_semaphore, #tpu.memory_space<semaphore_mem>>) src(%arg13 : memref<128x128xf32, #tpu.memory_space<vmem>>) dst(%dma_wait3A_116 : memref<128x128xf32, #tpu.memory_space<hbm>>)
    return
  }
}

#map = affine_map<(d0, d1) -> (0, 0)>
module attributes {stable_mosaic.version = 14 : i64} {
  func.func @_gather_body(%arg0: i32, %arg1: i32, %arg2: memref<1000000x128xf32, #tpu.memory_space<hbm>>, %arg3: memref<1000000x128xf32, #tpu.memory_space<hbm>>, %arg4: memref<128x128xi32, #tpu.memory_space<hbm>>, %arg5: memref<128x128xi32, #tpu.memory_space<hbm>>, %arg6: memref<8192x128xf32, #tpu.memory_space<hbm>>, %arg7: memref<8192x128xf32, #tpu.memory_space<hbm>>, %arg8: memref<2x128xi32, #tpu.memory_space<vmem>>, %arg9: memref<2x128xi32, #tpu.memory_space<vmem>>, %arg10: memref<128x128xf32, #tpu.memory_space<vmem>>, %arg11: memref<128x128xf32, #tpu.memory_space<vmem>>, %arg12: memref<128x128xf32, #tpu.memory_space<vmem>>, %arg13: memref<128x128xf32, #tpu.memory_space<vmem>>, %arg14: memref<!tpu.dma_semaphore, #tpu.memory_space<semaphore_mem>>, %arg15: memref<!tpu.dma_semaphore, #tpu.memory_space<semaphore_mem>>, %arg16: memref<!tpu.dma_semaphore, #tpu.memory_space<semaphore_mem>>, %arg17: memref<!tpu.dma_semaphore, #tpu.memory_space<semaphore_mem>>, %arg18: memref<!tpu.dma_semaphore, #tpu.memory_space<semaphore_mem>>, %arg19: memref<!tpu.dma_semaphore, #tpu.memory_space<semaphore_mem>>, %arg20: memref<!tpu.dma_semaphore, #tpu.memory_space<semaphore_mem>>, %arg21: memref<!tpu.dma_semaphore, #tpu.memory_space<semaphore_mem>>) attributes {dimension_semantics = [#tpu.dimension_semantics<core_parallel>, #tpu.dimension_semantics<subcore_parallel>], iteration_bounds = array<i64: 2, 16>, scalar_prefetch = 0 : i64, scratch_operands = 14 : i64, tpu.core_type = #tpu.core_type<sc_vector_subcore>, window_params = [{transform_indices = #map}, {transform_indices = #map}, {transform_indices = #map}, {transform_indices = #map}, {transform_indices = #map}, {transform_indices = #map}]} {
    %mul3A = arith.constant 2 : i32
    %mul3A_0 = arith.muli %arg1, %mul3A : i32
    %add3A = arith.addi %mul3A_0, %arg0 : i32
    %mul3A_1 = arith.constant 2 : i32
    %mul3A_2 = arith.muli %add3A, %mul3A_1 : i32
    %add3A_3 = arith.constant 64 : i32
    %add3A_4 = arith.addi %add3A_3, %mul3A_2 : i32
    %dma_start3A = arith.constant 0 : i32
    %dma_start3A_5 = tpu.memref_slice %arg4[%add3A_4, %dma_start3A] : memref<128x128xi32, #tpu.memory_space<hbm>> -> memref<2x128xi32, #tpu.memory_space<hbm>>
    %dma_start3A_6 = arith.constant 0 : i32
    %dma_start3A_7 = tpu.memref_slice %arg4[%add3A_4, %dma_start3A_6] : memref<128x128xi32, #tpu.memory_space<hbm>> -> memref<2x128xi32, #tpu.memory_space<hbm>>
    tpu.enqueue_dma source(%dma_start3A_7 : memref<2x128xi32, #tpu.memory_space<hbm>>) target(%arg8 : memref<2x128xi32, #tpu.memory_space<vmem>>) target_semaphore(%arg14 : memref<!tpu.dma_semaphore, #tpu.memory_space<semaphore_mem>>)
    %dma_start3A_8 = arith.constant 0 : i32
    %dma_start3A_9 = tpu.memref_slice %arg5[%add3A_4, %dma_start3A_8] : memref<128x128xi32, #tpu.memory_space<hbm>> -> memref<2x128xi32, #tpu.memory_space<hbm>>
    %dma_start3A_10 = arith.constant 0 : i32
    %dma_start3A_11 = tpu.memref_slice %arg5[%add3A_4, %dma_start3A_10] : memref<128x128xi32, #tpu.memory_space<hbm>> -> memref<2x128xi32, #tpu.memory_space<hbm>>
    tpu.enqueue_dma source(%dma_start3A_11 : memref<2x128xi32, #tpu.memory_space<hbm>>) target(%arg9 : memref<2x128xi32, #tpu.memory_space<vmem>>) target_semaphore(%arg18 : memref<!tpu.dma_semaphore, #tpu.memory_space<semaphore_mem>>)
    %dma_wait3A = arith.constant 0 : i32
    %dma_wait3A_12 = tpu.memref_slice %arg4[%add3A_4, %dma_wait3A] : memref<128x128xi32, #tpu.memory_space<hbm>> -> memref<2x128xi32, #tpu.memory_space<hbm>>
    %dma_wait3A_13 = arith.constant 0 : i32
    %dma_wait3A_14 = tpu.memref_slice %arg4[%add3A_4, %dma_wait3A_13] : memref<128x128xi32, #tpu.memory_space<hbm>> -> memref<2x128xi32, #tpu.memory_space<hbm>>
    tpu.wait_dma2 semaphore(%arg14 : memref<!tpu.dma_semaphore, #tpu.memory_space<semaphore_mem>>) src(%dma_wait3A_14 : memref<2x128xi32, #tpu.memory_space<hbm>>) dst(%arg8 : memref<2x128xi32, #tpu.memory_space<vmem>>)
    %dma_wait3A_15 = arith.constant 0 : i32
    %dma_wait3A_16 = tpu.memref_slice %arg5[%add3A_4, %dma_wait3A_15] : memref<128x128xi32, #tpu.memory_space<hbm>> -> memref<2x128xi32, #tpu.memory_space<hbm>>
    %dma_wait3A_17 = arith.constant 0 : i32
    %dma_wait3A_18 = tpu.memref_slice %arg5[%add3A_4, %dma_wait3A_17] : memref<128x128xi32, #tpu.memory_space<hbm>> -> memref<2x128xi32, #tpu.memory_space<hbm>>
    tpu.wait_dma2 semaphore(%arg18 : memref<!tpu.dma_semaphore, #tpu.memory_space<semaphore_mem>>) src(%dma_wait3A_18 : memref<2x128xi32, #tpu.memory_space<hbm>>) dst(%arg9 : memref<2x128xi32, #tpu.memory_space<vmem>>)
    %mul3A_19 = arith.constant 256 : i32
    %mul3A_20 = arith.muli %add3A, %mul3A_19 : i32
    %dma_start3A_21 = arith.constant 0 : i32
    %dma_start3A_22 = arith.constant 0 : i32
    %dma_start3A_23 = tpu.memref_slice %arg8[%dma_start3A_21, %dma_start3A_22] : memref<2x128xi32, #tpu.memory_space<vmem>> -> memref<1x128xi32, #tpu.memory_space<vmem>>
    %dma_start3A_24 = tpu.memref_squeeze %dma_start3A_23 : memref<1x128xi32, #tpu.memory_space<vmem>> -> memref<128xi32, #tpu.memory_space<vmem>>
    %dma_start3A_25 = arith.constant 0 : i32
    %dma_start3A_26 = arith.constant 0 : i32
    %dma_start3A_27 = tpu.memref_slice %arg2[%dma_start3A_25, %dma_start3A_26] : memref<1000000x128xf32, #tpu.memory_space<hbm>> -> memref<1000000x128xf32, #tpu.memory_space<hbm>>
    tpu.enqueue_indirect_dma source(%dma_start3A_27 : memref<1000000x128xf32, #tpu.memory_space<hbm>>) target(%arg10 : memref<128x128xf32, #tpu.memory_space<vmem>>) offsets(%dma_start3A_24 : memref<128xi32, #tpu.memory_space<vmem>>) semaphore(%arg14 : memref<!tpu.dma_semaphore, #tpu.memory_space<semaphore_mem>>)
    %dma_start3A_28 = arith.constant 1 : i32
    %dma_start3A_29 = arith.constant 0 : i32
    %dma_start3A_30 = tpu.memref_slice %arg8[%dma_start3A_28, %dma_start3A_29] : memref<2x128xi32, #tpu.memory_space<vmem>> -> memref<1x128xi32, #tpu.memory_space<vmem>>
    %dma_start3A_31 = tpu.memref_squeeze %dma_start3A_30 : memref<1x128xi32, #tpu.memory_space<vmem>> -> memref<128xi32, #tpu.memory_space<vmem>>
    %dma_start3A_32 = arith.constant 0 : i32
    %dma_start3A_33 = arith.constant 0 : i32
    %dma_start3A_34 = tpu.memref_slice %arg2[%dma_start3A_32, %dma_start3A_33] : memref<1000000x128xf32, #tpu.memory_space<hbm>> -> memref<1000000x128xf32, #tpu.memory_space<hbm>>
    tpu.enqueue_indirect_dma source(%dma_start3A_34 : memref<1000000x128xf32, #tpu.memory_space<hbm>>) target(%arg11 : memref<128x128xf32, #tpu.memory_space<vmem>>) offsets(%dma_start3A_31 : memref<128xi32, #tpu.memory_space<vmem>>) semaphore(%arg15 : memref<!tpu.dma_semaphore, #tpu.memory_space<semaphore_mem>>)
    %dma_start3A_35 = arith.constant 0 : i32
    %dma_start3A_36 = arith.constant 0 : i32
    %dma_start3A_37 = tpu.memref_slice %arg9[%dma_start3A_35, %dma_start3A_36] : memref<2x128xi32, #tpu.memory_space<vmem>> -> memref<1x128xi32, #tpu.memory_space<vmem>>
    %dma_start3A_38 = tpu.memref_squeeze %dma_start3A_37 : memref<1x128xi32, #tpu.memory_space<vmem>> -> memref<128xi32, #tpu.memory_space<vmem>>
    %dma_start3A_39 = arith.constant 0 : i32
    %dma_start3A_40 = arith.constant 0 : i32
    %dma_start3A_41 = tpu.memref_slice %arg3[%dma_start3A_39, %dma_start3A_40] : memref<1000000x128xf32, #tpu.memory_space<hbm>> -> memref<1000000x128xf32, #tpu.memory_space<hbm>>
    tpu.enqueue_indirect_dma source(%dma_start3A_41 : memref<1000000x128xf32, #tpu.memory_space<hbm>>) target(%arg12 : memref<128x128xf32, #tpu.memory_space<vmem>>) offsets(%dma_start3A_38 : memref<128xi32, #tpu.memory_space<vmem>>) semaphore(%arg16 : memref<!tpu.dma_semaphore, #tpu.memory_space<semaphore_mem>>)
    %dma_start3A_42 = arith.constant 1 : i32
    %dma_start3A_43 = arith.constant 0 : i32
    %dma_start3A_44 = tpu.memref_slice %arg9[%dma_start3A_42, %dma_start3A_43] : memref<2x128xi32, #tpu.memory_space<vmem>> -> memref<1x128xi32, #tpu.memory_space<vmem>>
    %dma_start3A_45 = tpu.memref_squeeze %dma_start3A_44 : memref<1x128xi32, #tpu.memory_space<vmem>> -> memref<128xi32, #tpu.memory_space<vmem>>
    %dma_start3A_46 = arith.constant 0 : i32
    %dma_start3A_47 = arith.constant 0 : i32
    %dma_start3A_48 = tpu.memref_slice %arg3[%dma_start3A_46, %dma_start3A_47] : memref<1000000x128xf32, #tpu.memory_space<hbm>> -> memref<1000000x128xf32, #tpu.memory_space<hbm>>
    tpu.enqueue_indirect_dma source(%dma_start3A_48 : memref<1000000x128xf32, #tpu.memory_space<hbm>>) target(%arg13 : memref<128x128xf32, #tpu.memory_space<vmem>>) offsets(%dma_start3A_45 : memref<128xi32, #tpu.memory_space<vmem>>) semaphore(%arg17 : memref<!tpu.dma_semaphore, #tpu.memory_space<semaphore_mem>>)
    %dma_wait3A_49 = arith.constant 0 : i32
    %dma_wait3A_50 = arith.constant 0 : i32
    %dma_wait3A_51 = tpu.memref_slice %arg8[%dma_wait3A_49, %dma_wait3A_50] : memref<2x128xi32, #tpu.memory_space<vmem>> -> memref<1x128xi32, #tpu.memory_space<vmem>>
    %dma_wait3A_52 = tpu.memref_squeeze %dma_wait3A_51 : memref<1x128xi32, #tpu.memory_space<vmem>> -> memref<128xi32, #tpu.memory_space<vmem>>
    %dma_wait3A_53 = arith.constant 0 : i32
    %dma_wait3A_54 = arith.constant 0 : i32
    %dma_wait3A_55 = tpu.memref_slice %arg2[%dma_wait3A_53, %dma_wait3A_54] : memref<1000000x128xf32, #tpu.memory_space<hbm>> -> memref<1000000x128xf32, #tpu.memory_space<hbm>>
    tpu.wait_indirect_dma semaphore(%arg14 : memref<!tpu.dma_semaphore, #tpu.memory_space<semaphore_mem>>) src(%dma_wait3A_55 : memref<1000000x128xf32, #tpu.memory_space<hbm>>) dst(%arg10 : memref<128x128xf32, #tpu.memory_space<vmem>>)
    %add3A_56 = arith.constant 0 : i32
    %add3A_57 = arith.addi %mul3A_20, %add3A_56 : i32
    %dma_start3A_58 = arith.constant 0 : i32
    %dma_start3A_59 = tpu.memref_slice %arg6[%add3A_57, %dma_start3A_58] : memref<8192x128xf32, #tpu.memory_space<hbm>> -> memref<128x128xf32, #tpu.memory_space<hbm>>
    %dma_start3A_60 = arith.constant 0 : i32
    %dma_start3A_61 = tpu.memref_slice %arg6[%add3A_57, %dma_start3A_60] : memref<8192x128xf32, #tpu.memory_space<hbm>> -> memref<128x128xf32, #tpu.memory_space<hbm>>
    tpu.enqueue_dma source(%arg10 : memref<128x128xf32, #tpu.memory_space<vmem>>) target(%dma_start3A_61 : memref<128x128xf32, #tpu.memory_space<hbm>>) target_semaphore(%arg18 : memref<!tpu.dma_semaphore, #tpu.memory_space<semaphore_mem>>)
    %dma_wait3A_62 = arith.constant 1 : i32
    %dma_wait3A_63 = arith.constant 0 : i32
    %dma_wait3A_64 = tpu.memref_slice %arg8[%dma_wait3A_62, %dma_wait3A_63] : memref<2x128xi32, #tpu.memory_space<vmem>> -> memref<1x128xi32, #tpu.memory_space<vmem>>
    %dma_wait3A_65 = tpu.memref_squeeze %dma_wait3A_64 : memref<1x128xi32, #tpu.memory_space<vmem>> -> memref<128xi32, #tpu.memory_space<vmem>>
    %dma_wait3A_66 = arith.constant 0 : i32
    %dma_wait3A_67 = arith.constant 0 : i32
    %dma_wait3A_68 = tpu.memref_slice %arg2[%dma_wait3A_66, %dma_wait3A_67] : memref<1000000x128xf32, #tpu.memory_space<hbm>> -> memref<1000000x128xf32, #tpu.memory_space<hbm>>
    tpu.wait_indirect_dma semaphore(%arg15 : memref<!tpu.dma_semaphore, #tpu.memory_space<semaphore_mem>>) src(%dma_wait3A_68 : memref<1000000x128xf32, #tpu.memory_space<hbm>>) dst(%arg11 : memref<128x128xf32, #tpu.memory_space<vmem>>)
    %add3A_69 = arith.constant 128 : i32
    %add3A_70 = arith.addi %mul3A_20, %add3A_69 : i32
    %dma_start3A_71 = arith.constant 0 : i32
    %dma_start3A_72 = tpu.memref_slice %arg6[%add3A_70, %dma_start3A_71] : memref<8192x128xf32, #tpu.memory_space<hbm>> -> memref<128x128xf32, #tpu.memory_space<hbm>>
    %dma_start3A_73 = arith.constant 0 : i32
    %dma_start3A_74 = tpu.memref_slice %arg6[%add3A_70, %dma_start3A_73] : memref<8192x128xf32, #tpu.memory_space<hbm>> -> memref<128x128xf32, #tpu.memory_space<hbm>>
    tpu.enqueue_dma source(%arg11 : memref<128x128xf32, #tpu.memory_space<vmem>>) target(%dma_start3A_74 : memref<128x128xf32, #tpu.memory_space<hbm>>) target_semaphore(%arg19 : memref<!tpu.dma_semaphore, #tpu.memory_space<semaphore_mem>>)
    %dma_wait3A_75 = arith.constant 0 : i32
    %dma_wait3A_76 = arith.constant 0 : i32
    %dma_wait3A_77 = tpu.memref_slice %arg9[%dma_wait3A_75, %dma_wait3A_76] : memref<2x128xi32, #tpu.memory_space<vmem>> -> memref<1x128xi32, #tpu.memory_space<vmem>>
    %dma_wait3A_78 = tpu.memref_squeeze %dma_wait3A_77 : memref<1x128xi32, #tpu.memory_space<vmem>> -> memref<128xi32, #tpu.memory_space<vmem>>
    %dma_wait3A_79 = arith.constant 0 : i32
    %dma_wait3A_80 = arith.constant 0 : i32
    %dma_wait3A_81 = tpu.memref_slice %arg3[%dma_wait3A_79, %dma_wait3A_80] : memref<1000000x128xf32, #tpu.memory_space<hbm>> -> memref<1000000x128xf32, #tpu.memory_space<hbm>>
    tpu.wait_indirect_dma semaphore(%arg16 : memref<!tpu.dma_semaphore, #tpu.memory_space<semaphore_mem>>) src(%dma_wait3A_81 : memref<1000000x128xf32, #tpu.memory_space<hbm>>) dst(%arg12 : memref<128x128xf32, #tpu.memory_space<vmem>>)
    %add3A_82 = arith.constant 0 : i32
    %add3A_83 = arith.addi %mul3A_20, %add3A_82 : i32
    %dma_start3A_84 = arith.constant 0 : i32
    %dma_start3A_85 = tpu.memref_slice %arg7[%add3A_83, %dma_start3A_84] : memref<8192x128xf32, #tpu.memory_space<hbm>> -> memref<128x128xf32, #tpu.memory_space<hbm>>
    %dma_start3A_86 = arith.constant 0 : i32
    %dma_start3A_87 = tpu.memref_slice %arg7[%add3A_83, %dma_start3A_86] : memref<8192x128xf32, #tpu.memory_space<hbm>> -> memref<128x128xf32, #tpu.memory_space<hbm>>
    tpu.enqueue_dma source(%arg12 : memref<128x128xf32, #tpu.memory_space<vmem>>) target(%dma_start3A_87 : memref<128x128xf32, #tpu.memory_space<hbm>>) target_semaphore(%arg20 : memref<!tpu.dma_semaphore, #tpu.memory_space<semaphore_mem>>)
    %dma_wait3A_88 = arith.constant 1 : i32
    %dma_wait3A_89 = arith.constant 0 : i32
    %dma_wait3A_90 = tpu.memref_slice %arg9[%dma_wait3A_88, %dma_wait3A_89] : memref<2x128xi32, #tpu.memory_space<vmem>> -> memref<1x128xi32, #tpu.memory_space<vmem>>
    %dma_wait3A_91 = tpu.memref_squeeze %dma_wait3A_90 : memref<1x128xi32, #tpu.memory_space<vmem>> -> memref<128xi32, #tpu.memory_space<vmem>>
    %dma_wait3A_92 = arith.constant 0 : i32
    %dma_wait3A_93 = arith.constant 0 : i32
    %dma_wait3A_94 = tpu.memref_slice %arg3[%dma_wait3A_92, %dma_wait3A_93] : memref<1000000x128xf32, #tpu.memory_space<hbm>> -> memref<1000000x128xf32, #tpu.memory_space<hbm>>
    tpu.wait_indirect_dma semaphore(%arg17 : memref<!tpu.dma_semaphore, #tpu.memory_space<semaphore_mem>>) src(%dma_wait3A_94 : memref<1000000x128xf32, #tpu.memory_space<hbm>>) dst(%arg13 : memref<128x128xf32, #tpu.memory_space<vmem>>)
    %add3A_95 = arith.constant 128 : i32
    %add3A_96 = arith.addi %mul3A_20, %add3A_95 : i32
    %dma_start3A_97 = arith.constant 0 : i32
    %dma_start3A_98 = tpu.memref_slice %arg7[%add3A_96, %dma_start3A_97] : memref<8192x128xf32, #tpu.memory_space<hbm>> -> memref<128x128xf32, #tpu.memory_space<hbm>>
    %dma_start3A_99 = arith.constant 0 : i32
    %dma_start3A_100 = tpu.memref_slice %arg7[%add3A_96, %dma_start3A_99] : memref<8192x128xf32, #tpu.memory_space<hbm>> -> memref<128x128xf32, #tpu.memory_space<hbm>>
    tpu.enqueue_dma source(%arg13 : memref<128x128xf32, #tpu.memory_space<vmem>>) target(%dma_start3A_100 : memref<128x128xf32, #tpu.memory_space<hbm>>) target_semaphore(%arg21 : memref<!tpu.dma_semaphore, #tpu.memory_space<semaphore_mem>>)
    %dma_wait3A_101 = arith.constant 0 : i32
    %dma_wait3A_102 = tpu.memref_slice %arg6[%add3A_57, %dma_wait3A_101] : memref<8192x128xf32, #tpu.memory_space<hbm>> -> memref<128x128xf32, #tpu.memory_space<hbm>>
    %dma_wait3A_103 = arith.constant 0 : i32
    %dma_wait3A_104 = tpu.memref_slice %arg6[%add3A_57, %dma_wait3A_103] : memref<8192x128xf32, #tpu.memory_space<hbm>> -> memref<128x128xf32, #tpu.memory_space<hbm>>
    tpu.wait_dma2 semaphore(%arg18 : memref<!tpu.dma_semaphore, #tpu.memory_space<semaphore_mem>>) src(%arg10 : memref<128x128xf32, #tpu.memory_space<vmem>>) dst(%dma_wait3A_104 : memref<128x128xf32, #tpu.memory_space<hbm>>)
    %dma_wait3A_105 = arith.constant 0 : i32
    %dma_wait3A_106 = tpu.memref_slice %arg6[%add3A_70, %dma_wait3A_105] : memref<8192x128xf32, #tpu.memory_space<hbm>> -> memref<128x128xf32, #tpu.memory_space<hbm>>
    %dma_wait3A_107 = arith.constant 0 : i32
    %dma_wait3A_108 = tpu.memref_slice %arg6[%add3A_70, %dma_wait3A_107] : memref<8192x128xf32, #tpu.memory_space<hbm>> -> memref<128x128xf32, #tpu.memory_space<hbm>>
    tpu.wait_dma2 semaphore(%arg19 : memref<!tpu.dma_semaphore, #tpu.memory_space<semaphore_mem>>) src(%arg11 : memref<128x128xf32, #tpu.memory_space<vmem>>) dst(%dma_wait3A_108 : memref<128x128xf32, #tpu.memory_space<hbm>>)
    %dma_wait3A_109 = arith.constant 0 : i32
    %dma_wait3A_110 = tpu.memref_slice %arg7[%add3A_83, %dma_wait3A_109] : memref<8192x128xf32, #tpu.memory_space<hbm>> -> memref<128x128xf32, #tpu.memory_space<hbm>>
    %dma_wait3A_111 = arith.constant 0 : i32
    %dma_wait3A_112 = tpu.memref_slice %arg7[%add3A_83, %dma_wait3A_111] : memref<8192x128xf32, #tpu.memory_space<hbm>> -> memref<128x128xf32, #tpu.memory_space<hbm>>
    tpu.wait_dma2 semaphore(%arg20 : memref<!tpu.dma_semaphore, #tpu.memory_space<semaphore_mem>>) src(%arg12 : memref<128x128xf32, #tpu.memory_space<vmem>>) dst(%dma_wait3A_112 : memref<128x128xf32, #tpu.memory_space<hbm>>)
    %dma_wait3A_113 = arith.constant 0 : i32
    %dma_wait3A_114 = tpu.memref_slice %arg7[%add3A_96, %dma_wait3A_113] : memref<8192x128xf32, #tpu.memory_space<hbm>> -> memref<128x128xf32, #tpu.memory_space<hbm>>
    %dma_wait3A_115 = arith.constant 0 : i32
    %dma_wait3A_116 = tpu.memref_slice %arg7[%add3A_96, %dma_wait3A_115] : memref<8192x128xf32, #tpu.memory_space<hbm>> -> memref<128x128xf32, #tpu.memory_space<hbm>>
    tpu.wait_dma2 semaphore(%arg21 : memref<!tpu.dma_semaphore, #tpu.memory_space<semaphore_mem>>) src(%arg13 : memref<128x128xf32, #tpu.memory_space<vmem>>) dst(%dma_wait3A_116 : memref<128x128xf32, #tpu.memory_space<hbm>>)
    return
  }
}

module attributes {stable_mosaic.version = 14 : i64} {
  func.func @_dense_body(%arg0: i32, %arg1: memref<4096x128xf32, #tpu.memory_space<vmem>>, %arg2: memref<4096x128xf32, #tpu.memory_space<vmem>>, %arg3: memref<128x384xf32, #tpu.memory_space<vmem>>, %arg4: memref<1x384xf32, #tpu.memory_space<vmem>>, %arg5: memref<256x256xf32, #tpu.memory_space<vmem>>, %arg6: memref<32x128xf32, #tpu.memory_space<vmem>>) attributes {dimension_semantics = [#tpu.dimension_semantics<parallel>], iteration_bounds = array<i64: 2>, scalar_prefetch = 0 : i64, scratch_operands = 0 : i64, tpu.core_type = #tpu.core_type<tc>, window_params = [{transform_indices = @transform_0, window_bounds = array<i64: 4096, 128>}, {transform_indices = @transform_1, window_bounds = array<i64: 4096, 128>}, {pipeline_mode = #tpu.pipeline_mode<synchronous>, transform_indices = @transform_2, window_bounds = array<i64: 128, 384>}, {pipeline_mode = #tpu.pipeline_mode<synchronous>, transform_indices = @transform_3, window_bounds = array<i64: 1, 384>}, {pipeline_mode = #tpu.pipeline_mode<synchronous>, transform_indices = @transform_4, window_bounds = array<i64: 256, 256>}, {transform_indices = @transform_5, window_bounds = array<i64: 32, 128>}]} {
    %get3A = arith.constant 0 : index
    %get3A_0 = arith.constant 0 : index
    %get3A_1 = vector.load %arg1[%get3A, %get3A_0] : memref<4096x128xf32, #tpu.memory_space<vmem>>, vector<4096x128xf32>
    %get3A_2 = arith.constant 0 : index
    %get3A_3 = arith.constant 0 : index
    %get3A_4 = vector.load %arg3[%get3A_2, %get3A_3] : memref<128x384xf32, #tpu.memory_space<vmem>>, vector<128x384xf32>
    %dot_general3A = arith.constant dense<0.000000e+00> : vector<4096x384xf32>
    %dot_general3A_5 = tpu.matmul %get3A_1, %get3A_4, %dot_general3A {dimension_numbers = #tpu.dot_dimension_numbers<[1], [0], [0], [1], [0, 0, 1, 1], [], []>, transpose_lhs_hint = false} : vector<4096x128xf32>, vector<128x384xf32>, vector<4096x384xf32> -> vector<4096x384xf32>
    %get3A_6 = arith.constant 0 : index
    %get3A_7 = arith.constant 0 : index
    %get3A_8 = vector.load %arg4[%get3A_6, %get3A_7] : memref<1x384xf32, #tpu.memory_space<vmem>>, vector<1x384xf32>
    %add3A = vector.broadcast %get3A_8 : vector<1x384xf32> to vector<4096x384xf32>
    %add3A_9 = arith.addf %dot_general3A_5, %add3A : vector<4096x384xf32>
    %get3A_10 = arith.constant 0 : index
    %get3A_11 = arith.constant 0 : index
    %get3A_12 = vector.load %arg2[%get3A_10, %get3A_11] : memref<4096x128xf32, #tpu.memory_space<vmem>>, vector<4096x128xf32>
    %get3A_13 = arith.constant 0 : index
    %get3A_14 = arith.constant 0 : index
    %get3A_15 = vector.load %arg3[%get3A_13, %get3A_14] : memref<128x384xf32, #tpu.memory_space<vmem>>, vector<128x384xf32>
    %dot_general3A_16 = arith.constant dense<0.000000e+00> : vector<4096x384xf32>
    %dot_general3A_17 = tpu.matmul %get3A_12, %get3A_15, %dot_general3A_16 {dimension_numbers = #tpu.dot_dimension_numbers<[1], [0], [0], [1], [0, 0, 1, 1], [], []>, transpose_lhs_hint = false} : vector<4096x128xf32>, vector<128x384xf32>, vector<4096x384xf32> -> vector<4096x384xf32>
    %get3A_18 = arith.constant 0 : index
    %get3A_19 = arith.constant 0 : index
    %get3A_20 = vector.load %arg4[%get3A_18, %get3A_19] : memref<1x384xf32, #tpu.memory_space<vmem>>, vector<1x384xf32>
    %add3A_21 = vector.broadcast %get3A_20 : vector<1x384xf32> to vector<4096x384xf32>
    %add3A_22 = arith.addf %dot_general3A_17, %add3A_21 : vector<4096x384xf32>
    %max3A = arith.constant 0.000000e+00 : f32
    %max3A_23 = vector.broadcast %max3A : f32 to vector<4096x384xf32>
    %max3A_24 = arith.maximumf %add3A_9, %max3A_23 : vector<4096x384xf32>
    %max3A_25 = arith.constant 0.000000e+00 : f32
    %max3A_26 = vector.broadcast %max3A_25 : f32 to vector<4096x384xf32>
    %max3A_27 = arith.maximumf %add3A_22, %max3A_26 : vector<4096x384xf32>
    %mul3A = arith.mulf %max3A_24, %max3A_27 : vector<4096x384xf32>
    %reduce_sum3A = arith.constant dense<0.000000e+00> : vector<4096xf32>
    %reduce_sum3A_28 = vector.multi_reduction <add>, %mul3A, %reduce_sum3A [1] : vector<4096x384xf32> to vector<4096xf32>
    %broadcast_in_dim3A = vector.shape_cast %reduce_sum3A_28 : vector<4096xf32> to vector<4096x1xf32>
    %mul3A_29 = arith.mulf %max3A_24, %max3A_24 : vector<4096x384xf32>
    %reduce_sum3A_30 = arith.constant dense<0.000000e+00> : vector<4096xf32>
    %reduce_sum3A_31 = vector.multi_reduction <add>, %mul3A_29, %reduce_sum3A_30 [1] : vector<4096x384xf32> to vector<4096xf32>
    %broadcast_in_dim3A_32 = vector.shape_cast %reduce_sum3A_31 : vector<4096xf32> to vector<4096x1xf32>
    %mul3A_33 = arith.mulf %max3A_27, %max3A_27 : vector<4096x384xf32>
    %reduce_sum3A_34 = arith.constant dense<0.000000e+00> : vector<4096xf32>
    %reduce_sum3A_35 = vector.multi_reduction <add>, %mul3A_33, %reduce_sum3A_34 [1] : vector<4096x384xf32> to vector<4096xf32>
    %broadcast_in_dim3A_36 = vector.shape_cast %reduce_sum3A_35 : vector<4096xf32> to vector<4096x1xf32>
    %mul3A_37 = arith.mulf %broadcast_in_dim3A_32, %broadcast_in_dim3A_36 : vector<4096x1xf32>
    %sqrt3A = math.sqrt %mul3A_37 : vector<4096x1xf32>
    %max3A_38 = arith.constant 9.99999993E-9 : f32
    %max3A_39 = vector.broadcast %max3A_38 : f32 to vector<4096x1xf32>
    %max3A_40 = arith.maximumf %sqrt3A, %max3A_39 : vector<4096x1xf32>
    %div3A = arith.divf %broadcast_in_dim3A, %max3A_40 : vector<4096x1xf32>
    %convert_element_type3A = arith.truncf %div3A : vector<4096x1xf32> to vector<4096x1xbf16>
    %convert_element_type3A_41 = arith.extf %convert_element_type3A : vector<4096x1xbf16> to vector<4096x1xf32>
    %sub3A = arith.subf %div3A, %convert_element_type3A_41 : vector<4096x1xf32>
    %get3A_42 = arith.constant 0 : index
    %get3A_43 = arith.constant 0 : index
    %get3A_44 = vector.load %arg5[%get3A_42, %get3A_43] : memref<256x256xf32, #tpu.memory_space<vmem>>, vector<256x256xf32>
    %slice3A = vector.extract_strided_slice %convert_element_type3A_41 {offsets = [0, 0], sizes = [256, 1], strides = [1, 1]} : vector<4096x1xf32> to vector<256x1xf32>
    %dot_general3A_45 = arith.constant dense<0.000000e+00> : vector<1x256xf32>
    %dot_general3A_46 = tpu.matmul %slice3A, %get3A_44, %dot_general3A_45 {dimension_numbers = #tpu.dot_dimension_numbers<[0], [0], [1], [1], [0, 1, 1, 1], [], []>, transpose_lhs_hint = false} : vector<256x1xf32>, vector<256x256xf32>, vector<1x256xf32> -> vector<1x256xf32>
    %slice3A_47 = vector.extract_strided_slice %sub3A {offsets = [0, 0], sizes = [256, 1], strides = [1, 1]} : vector<4096x1xf32> to vector<256x1xf32>
    %dot_general3A_48 = arith.constant dense<0.000000e+00> : vector<1x256xf32>
    %dot_general3A_49 = tpu.matmul %slice3A_47, %get3A_44, %dot_general3A_48 {dimension_numbers = #tpu.dot_dimension_numbers<[0], [0], [1], [1], [0, 1, 1, 1], [], []>, transpose_lhs_hint = false} : vector<256x1xf32>, vector<256x256xf32>, vector<1x256xf32> -> vector<1x256xf32>
    %add3A_50 = arith.addf %dot_general3A_46, %dot_general3A_49 : vector<1x256xf32>
    %reshape3A = vector.shape_cast %add3A_50 : vector<1x256xf32> to vector<2x128xf32>
    %slice3A_51 = vector.extract_strided_slice %convert_element_type3A_41 {offsets = [256, 0], sizes = [256, 1], strides = [1, 1]} : vector<4096x1xf32> to vector<256x1xf32>
    %dot_general3A_52 = arith.constant dense<0.000000e+00> : vector<1x256xf32>
    %dot_general3A_53 = tpu.matmul %slice3A_51, %get3A_44, %dot_general3A_52 {dimension_numbers = #tpu.dot_dimension_numbers<[0], [0], [1], [1], [0, 1, 1, 1], [], []>, transpose_lhs_hint = false} : vector<256x1xf32>, vector<256x256xf32>, vector<1x256xf32> -> vector<1x256xf32>
    %slice3A_54 = vector.extract_strided_slice %sub3A {offsets = [256, 0], sizes = [256, 1], strides = [1, 1]} : vector<4096x1xf32> to vector<256x1xf32>
    %dot_general3A_55 = arith.constant dense<0.000000e+00> : vector<1x256xf32>
    %dot_general3A_56 = tpu.matmul %slice3A_54, %get3A_44, %dot_general3A_55 {dimension_numbers = #tpu.dot_dimension_numbers<[0], [0], [1], [1], [0, 1, 1, 1], [], []>, transpose_lhs_hint = false} : vector<256x1xf32>, vector<256x256xf32>, vector<1x256xf32> -> vector<1x256xf32>
    %add3A_57 = arith.addf %dot_general3A_53, %dot_general3A_56 : vector<1x256xf32>
    %reshape3A_58 = vector.shape_cast %add3A_57 : vector<1x256xf32> to vector<2x128xf32>
    %slice3A_59 = vector.extract_strided_slice %convert_element_type3A_41 {offsets = [512, 0], sizes = [256, 1], strides = [1, 1]} : vector<4096x1xf32> to vector<256x1xf32>
    %dot_general3A_60 = arith.constant dense<0.000000e+00> : vector<1x256xf32>
    %dot_general3A_61 = tpu.matmul %slice3A_59, %get3A_44, %dot_general3A_60 {dimension_numbers = #tpu.dot_dimension_numbers<[0], [0], [1], [1], [0, 1, 1, 1], [], []>, transpose_lhs_hint = false} : vector<256x1xf32>, vector<256x256xf32>, vector<1x256xf32> -> vector<1x256xf32>
    %slice3A_62 = vector.extract_strided_slice %sub3A {offsets = [512, 0], sizes = [256, 1], strides = [1, 1]} : vector<4096x1xf32> to vector<256x1xf32>
    %dot_general3A_63 = arith.constant dense<0.000000e+00> : vector<1x256xf32>
    %dot_general3A_64 = tpu.matmul %slice3A_62, %get3A_44, %dot_general3A_63 {dimension_numbers = #tpu.dot_dimension_numbers<[0], [0], [1], [1], [0, 1, 1, 1], [], []>, transpose_lhs_hint = false} : vector<256x1xf32>, vector<256x256xf32>, vector<1x256xf32> -> vector<1x256xf32>
    %add3A_65 = arith.addf %dot_general3A_61, %dot_general3A_64 : vector<1x256xf32>
    %reshape3A_66 = vector.shape_cast %add3A_65 : vector<1x256xf32> to vector<2x128xf32>
    %slice3A_67 = vector.extract_strided_slice %convert_element_type3A_41 {offsets = [768, 0], sizes = [256, 1], strides = [1, 1]} : vector<4096x1xf32> to vector<256x1xf32>
    %dot_general3A_68 = arith.constant dense<0.000000e+00> : vector<1x256xf32>
    %dot_general3A_69 = tpu.matmul %slice3A_67, %get3A_44, %dot_general3A_68 {dimension_numbers = #tpu.dot_dimension_numbers<[0], [0], [1], [1], [0, 1, 1, 1], [], []>, transpose_lhs_hint = false} : vector<256x1xf32>, vector<256x256xf32>, vector<1x256xf32> -> vector<1x256xf32>
    %slice3A_70 = vector.extract_strided_slice %sub3A {offsets = [768, 0], sizes = [256, 1], strides = [1, 1]} : vector<4096x1xf32> to vector<256x1xf32>
    %dot_general3A_71 = arith.constant dense<0.000000e+00> : vector<1x256xf32>
    %dot_general3A_72 = tpu.matmul %slice3A_70, %get3A_44, %dot_general3A_71 {dimension_numbers = #tpu.dot_dimension_numbers<[0], [0], [1], [1], [0, 1, 1, 1], [], []>, transpose_lhs_hint = false} : vector<256x1xf32>, vector<256x256xf32>, vector<1x256xf32> -> vector<1x256xf32>
    %add3A_73 = arith.addf %dot_general3A_69, %dot_general3A_72 : vector<1x256xf32>
    %reshape3A_74 = vector.shape_cast %add3A_73 : vector<1x256xf32> to vector<2x128xf32>
    %slice3A_75 = vector.extract_strided_slice %convert_element_type3A_41 {offsets = [1024, 0], sizes = [256, 1], strides = [1, 1]} : vector<4096x1xf32> to vector<256x1xf32>
    %dot_general3A_76 = arith.constant dense<0.000000e+00> : vector<1x256xf32>
    %dot_general3A_77 = tpu.matmul %slice3A_75, %get3A_44, %dot_general3A_76 {dimension_numbers = #tpu.dot_dimension_numbers<[0], [0], [1], [1], [0, 1, 1, 1], [], []>, transpose_lhs_hint = false} : vector<256x1xf32>, vector<256x256xf32>, vector<1x256xf32> -> vector<1x256xf32>
    %slice3A_78 = vector.extract_strided_slice %sub3A {offsets = [1024, 0], sizes = [256, 1], strides = [1, 1]} : vector<4096x1xf32> to vector<256x1xf32>
    %dot_general3A_79 = arith.constant dense<0.000000e+00> : vector<1x256xf32>
    %dot_general3A_80 = tpu.matmul %slice3A_78, %get3A_44, %dot_general3A_79 {dimension_numbers = #tpu.dot_dimension_numbers<[0], [0], [1], [1], [0, 1, 1, 1], [], []>, transpose_lhs_hint = false} : vector<256x1xf32>, vector<256x256xf32>, vector<1x256xf32> -> vector<1x256xf32>
    %add3A_81 = arith.addf %dot_general3A_77, %dot_general3A_80 : vector<1x256xf32>
    %reshape3A_82 = vector.shape_cast %add3A_81 : vector<1x256xf32> to vector<2x128xf32>
    %slice3A_83 = vector.extract_strided_slice %convert_element_type3A_41 {offsets = [1280, 0], sizes = [256, 1], strides = [1, 1]} : vector<4096x1xf32> to vector<256x1xf32>
    %dot_general3A_84 = arith.constant dense<0.000000e+00> : vector<1x256xf32>
    %dot_general3A_85 = tpu.matmul %slice3A_83, %get3A_44, %dot_general3A_84 {dimension_numbers = #tpu.dot_dimension_numbers<[0], [0], [1], [1], [0, 1, 1, 1], [], []>, transpose_lhs_hint = false} : vector<256x1xf32>, vector<256x256xf32>, vector<1x256xf32> -> vector<1x256xf32>
    %slice3A_86 = vector.extract_strided_slice %sub3A {offsets = [1280, 0], sizes = [256, 1], strides = [1, 1]} : vector<4096x1xf32> to vector<256x1xf32>
    %dot_general3A_87 = arith.constant dense<0.000000e+00> : vector<1x256xf32>
    %dot_general3A_88 = tpu.matmul %slice3A_86, %get3A_44, %dot_general3A_87 {dimension_numbers = #tpu.dot_dimension_numbers<[0], [0], [1], [1], [0, 1, 1, 1], [], []>, transpose_lhs_hint = false} : vector<256x1xf32>, vector<256x256xf32>, vector<1x256xf32> -> vector<1x256xf32>
    %add3A_89 = arith.addf %dot_general3A_85, %dot_general3A_88 : vector<1x256xf32>
    %reshape3A_90 = vector.shape_cast %add3A_89 : vector<1x256xf32> to vector<2x128xf32>
    %slice3A_91 = vector.extract_strided_slice %convert_element_type3A_41 {offsets = [1536, 0], sizes = [256, 1], strides = [1, 1]} : vector<4096x1xf32> to vector<256x1xf32>
    %dot_general3A_92 = arith.constant dense<0.000000e+00> : vector<1x256xf32>
    %dot_general3A_93 = tpu.matmul %slice3A_91, %get3A_44, %dot_general3A_92 {dimension_numbers = #tpu.dot_dimension_numbers<[0], [0], [1], [1], [0, 1, 1, 1], [], []>, transpose_lhs_hint = false} : vector<256x1xf32>, vector<256x256xf32>, vector<1x256xf32> -> vector<1x256xf32>
    %slice3A_94 = vector.extract_strided_slice %sub3A {offsets = [1536, 0], sizes = [256, 1], strides = [1, 1]} : vector<4096x1xf32> to vector<256x1xf32>
    %dot_general3A_95 = arith.constant dense<0.000000e+00> : vector<1x256xf32>
    %dot_general3A_96 = tpu.matmul %slice3A_94, %get3A_44, %dot_general3A_95 {dimension_numbers = #tpu.dot_dimension_numbers<[0], [0], [1], [1], [0, 1, 1, 1], [], []>, transpose_lhs_hint = false} : vector<256x1xf32>, vector<256x256xf32>, vector<1x256xf32> -> vector<1x256xf32>
    %add3A_97 = arith.addf %dot_general3A_93, %dot_general3A_96 : vector<1x256xf32>
    %reshape3A_98 = vector.shape_cast %add3A_97 : vector<1x256xf32> to vector<2x128xf32>
    %slice3A_99 = vector.extract_strided_slice %convert_element_type3A_41 {offsets = [1792, 0], sizes = [256, 1], strides = [1, 1]} : vector<4096x1xf32> to vector<256x1xf32>
    %dot_general3A_100 = arith.constant dense<0.000000e+00> : vector<1x256xf32>
    %dot_general3A_101 = tpu.matmul %slice3A_99, %get3A_44, %dot_general3A_100 {dimension_numbers = #tpu.dot_dimension_numbers<[0], [0], [1], [1], [0, 1, 1, 1], [], []>, transpose_lhs_hint = false} : vector<256x1xf32>, vector<256x256xf32>, vector<1x256xf32> -> vector<1x256xf32>
    %slice3A_102 = vector.extract_strided_slice %sub3A {offsets = [1792, 0], sizes = [256, 1], strides = [1, 1]} : vector<4096x1xf32> to vector<256x1xf32>
    %dot_general3A_103 = arith.constant dense<0.000000e+00> : vector<1x256xf32>
    %dot_general3A_104 = tpu.matmul %slice3A_102, %get3A_44, %dot_general3A_103 {dimension_numbers = #tpu.dot_dimension_numbers<[0], [0], [1], [1], [0, 1, 1, 1], [], []>, transpose_lhs_hint = false} : vector<256x1xf32>, vector<256x256xf32>, vector<1x256xf32> -> vector<1x256xf32>
    %add3A_105 = arith.addf %dot_general3A_101, %dot_general3A_104 : vector<1x256xf32>
    %reshape3A_106 = vector.shape_cast %add3A_105 : vector<1x256xf32> to vector<2x128xf32>
    %slice3A_107 = vector.extract_strided_slice %convert_element_type3A_41 {offsets = [2048, 0], sizes = [256, 1], strides = [1, 1]} : vector<4096x1xf32> to vector<256x1xf32>
    %dot_general3A_108 = arith.constant dense<0.000000e+00> : vector<1x256xf32>
    %dot_general3A_109 = tpu.matmul %slice3A_107, %get3A_44, %dot_general3A_108 {dimension_numbers = #tpu.dot_dimension_numbers<[0], [0], [1], [1], [0, 1, 1, 1], [], []>, transpose_lhs_hint = false} : vector<256x1xf32>, vector<256x256xf32>, vector<1x256xf32> -> vector<1x256xf32>
    %slice3A_110 = vector.extract_strided_slice %sub3A {offsets = [2048, 0], sizes = [256, 1], strides = [1, 1]} : vector<4096x1xf32> to vector<256x1xf32>
    %dot_general3A_111 = arith.constant dense<0.000000e+00> : vector<1x256xf32>
    %dot_general3A_112 = tpu.matmul %slice3A_110, %get3A_44, %dot_general3A_111 {dimension_numbers = #tpu.dot_dimension_numbers<[0], [0], [1], [1], [0, 1, 1, 1], [], []>, transpose_lhs_hint = false} : vector<256x1xf32>, vector<256x256xf32>, vector<1x256xf32> -> vector<1x256xf32>
    %add3A_113 = arith.addf %dot_general3A_109, %dot_general3A_112 : vector<1x256xf32>
    %reshape3A_114 = vector.shape_cast %add3A_113 : vector<1x256xf32> to vector<2x128xf32>
    %slice3A_115 = vector.extract_strided_slice %convert_element_type3A_41 {offsets = [2304, 0], sizes = [256, 1], strides = [1, 1]} : vector<4096x1xf32> to vector<256x1xf32>
    %dot_general3A_116 = arith.constant dense<0.000000e+00> : vector<1x256xf32>
    %dot_general3A_117 = tpu.matmul %slice3A_115, %get3A_44, %dot_general3A_116 {dimension_numbers = #tpu.dot_dimension_numbers<[0], [0], [1], [1], [0, 1, 1, 1], [], []>, transpose_lhs_hint = false} : vector<256x1xf32>, vector<256x256xf32>, vector<1x256xf32> -> vector<1x256xf32>
    %slice3A_118 = vector.extract_strided_slice %sub3A {offsets = [2304, 0], sizes = [256, 1], strides = [1, 1]} : vector<4096x1xf32> to vector<256x1xf32>
    %dot_general3A_119 = arith.constant dense<0.000000e+00> : vector<1x256xf32>
    %dot_general3A_120 = tpu.matmul %slice3A_118, %get3A_44, %dot_general3A_119 {dimension_numbers = #tpu.dot_dimension_numbers<[0], [0], [1], [1], [0, 1, 1, 1], [], []>, transpose_lhs_hint = false} : vector<256x1xf32>, vector<256x256xf32>, vector<1x256xf32> -> vector<1x256xf32>
    %add3A_121 = arith.addf %dot_general3A_117, %dot_general3A_120 : vector<1x256xf32>
    %reshape3A_122 = vector.shape_cast %add3A_121 : vector<1x256xf32> to vector<2x128xf32>
    %slice3A_123 = vector.extract_strided_slice %convert_element_type3A_41 {offsets = [2560, 0], sizes = [256, 1], strides = [1, 1]} : vector<4096x1xf32> to vector<256x1xf32>
    %dot_general3A_124 = arith.constant dense<0.000000e+00> : vector<1x256xf32>
    %dot_general3A_125 = tpu.matmul %slice3A_123, %get3A_44, %dot_general3A_124 {dimension_numbers = #tpu.dot_dimension_numbers<[0], [0], [1], [1], [0, 1, 1, 1], [], []>, transpose_lhs_hint = false} : vector<256x1xf32>, vector<256x256xf32>, vector<1x256xf32> -> vector<1x256xf32>
    %slice3A_126 = vector.extract_strided_slice %sub3A {offsets = [2560, 0], sizes = [256, 1], strides = [1, 1]} : vector<4096x1xf32> to vector<256x1xf32>
    %dot_general3A_127 = arith.constant dense<0.000000e+00> : vector<1x256xf32>
    %dot_general3A_128 = tpu.matmul %slice3A_126, %get3A_44, %dot_general3A_127 {dimension_numbers = #tpu.dot_dimension_numbers<[0], [0], [1], [1], [0, 1, 1, 1], [], []>, transpose_lhs_hint = false} : vector<256x1xf32>, vector<256x256xf32>, vector<1x256xf32> -> vector<1x256xf32>
    %add3A_129 = arith.addf %dot_general3A_125, %dot_general3A_128 : vector<1x256xf32>
    %reshape3A_130 = vector.shape_cast %add3A_129 : vector<1x256xf32> to vector<2x128xf32>
    %slice3A_131 = vector.extract_strided_slice %convert_element_type3A_41 {offsets = [2816, 0], sizes = [256, 1], strides = [1, 1]} : vector<4096x1xf32> to vector<256x1xf32>
    %dot_general3A_132 = arith.constant dense<0.000000e+00> : vector<1x256xf32>
    %dot_general3A_133 = tpu.matmul %slice3A_131, %get3A_44, %dot_general3A_132 {dimension_numbers = #tpu.dot_dimension_numbers<[0], [0], [1], [1], [0, 1, 1, 1], [], []>, transpose_lhs_hint = false} : vector<256x1xf32>, vector<256x256xf32>, vector<1x256xf32> -> vector<1x256xf32>
    %slice3A_134 = vector.extract_strided_slice %sub3A {offsets = [2816, 0], sizes = [256, 1], strides = [1, 1]} : vector<4096x1xf32> to vector<256x1xf32>
    %dot_general3A_135 = arith.constant dense<0.000000e+00> : vector<1x256xf32>
    %dot_general3A_136 = tpu.matmul %slice3A_134, %get3A_44, %dot_general3A_135 {dimension_numbers = #tpu.dot_dimension_numbers<[0], [0], [1], [1], [0, 1, 1, 1], [], []>, transpose_lhs_hint = false} : vector<256x1xf32>, vector<256x256xf32>, vector<1x256xf32> -> vector<1x256xf32>
    %add3A_137 = arith.addf %dot_general3A_133, %dot_general3A_136 : vector<1x256xf32>
    %reshape3A_138 = vector.shape_cast %add3A_137 : vector<1x256xf32> to vector<2x128xf32>
    %slice3A_139 = vector.extract_strided_slice %convert_element_type3A_41 {offsets = [3072, 0], sizes = [256, 1], strides = [1, 1]} : vector<4096x1xf32> to vector<256x1xf32>
    %dot_general3A_140 = arith.constant dense<0.000000e+00> : vector<1x256xf32>
    %dot_general3A_141 = tpu.matmul %slice3A_139, %get3A_44, %dot_general3A_140 {dimension_numbers = #tpu.dot_dimension_numbers<[0], [0], [1], [1], [0, 1, 1, 1], [], []>, transpose_lhs_hint = false} : vector<256x1xf32>, vector<256x256xf32>, vector<1x256xf32> -> vector<1x256xf32>
    %slice3A_142 = vector.extract_strided_slice %sub3A {offsets = [3072, 0], sizes = [256, 1], strides = [1, 1]} : vector<4096x1xf32> to vector<256x1xf32>
    %dot_general3A_143 = arith.constant dense<0.000000e+00> : vector<1x256xf32>
    %dot_general3A_144 = tpu.matmul %slice3A_142, %get3A_44, %dot_general3A_143 {dimension_numbers = #tpu.dot_dimension_numbers<[0], [0], [1], [1], [0, 1, 1, 1], [], []>, transpose_lhs_hint = false} : vector<256x1xf32>, vector<256x256xf32>, vector<1x256xf32> -> vector<1x256xf32>
    %add3A_145 = arith.addf %dot_general3A_141, %dot_general3A_144 : vector<1x256xf32>
    %reshape3A_146 = vector.shape_cast %add3A_145 : vector<1x256xf32> to vector<2x128xf32>
    %slice3A_147 = vector.extract_strided_slice %convert_element_type3A_41 {offsets = [3328, 0], sizes = [256, 1], strides = [1, 1]} : vector<4096x1xf32> to vector<256x1xf32>
    %dot_general3A_148 = arith.constant dense<0.000000e+00> : vector<1x256xf32>
    %dot_general3A_149 = tpu.matmul %slice3A_147, %get3A_44, %dot_general3A_148 {dimension_numbers = #tpu.dot_dimension_numbers<[0], [0], [1], [1], [0, 1, 1, 1], [], []>, transpose_lhs_hint = false} : vector<256x1xf32>, vector<256x256xf32>, vector<1x256xf32> -> vector<1x256xf32>
    %slice3A_150 = vector.extract_strided_slice %sub3A {offsets = [3328, 0], sizes = [256, 1], strides = [1, 1]} : vector<4096x1xf32> to vector<256x1xf32>
    %dot_general3A_151 = arith.constant dense<0.000000e+00> : vector<1x256xf32>
    %dot_general3A_152 = tpu.matmul %slice3A_150, %get3A_44, %dot_general3A_151 {dimension_numbers = #tpu.dot_dimension_numbers<[0], [0], [1], [1], [0, 1, 1, 1], [], []>, transpose_lhs_hint = false} : vector<256x1xf32>, vector<256x256xf32>, vector<1x256xf32> -> vector<1x256xf32>
    %add3A_153 = arith.addf %dot_general3A_149, %dot_general3A_152 : vector<1x256xf32>
    %reshape3A_154 = vector.shape_cast %add3A_153 : vector<1x256xf32> to vector<2x128xf32>
    %slice3A_155 = vector.extract_strided_slice %convert_element_type3A_41 {offsets = [3584, 0], sizes = [256, 1], strides = [1, 1]} : vector<4096x1xf32> to vector<256x1xf32>
    %dot_general3A_156 = arith.constant dense<0.000000e+00> : vector<1x256xf32>
    %dot_general3A_157 = tpu.matmul %slice3A_155, %get3A_44, %dot_general3A_156 {dimension_numbers = #tpu.dot_dimension_numbers<[0], [0], [1], [1], [0, 1, 1, 1], [], []>, transpose_lhs_hint = false} : vector<256x1xf32>, vector<256x256xf32>, vector<1x256xf32> -> vector<1x256xf32>
    %slice3A_158 = vector.extract_strided_slice %sub3A {offsets = [3584, 0], sizes = [256, 1], strides = [1, 1]} : vector<4096x1xf32> to vector<256x1xf32>
    %dot_general3A_159 = arith.constant dense<0.000000e+00> : vector<1x256xf32>
    %dot_general3A_160 = tpu.matmul %slice3A_158, %get3A_44, %dot_general3A_159 {dimension_numbers = #tpu.dot_dimension_numbers<[0], [0], [1], [1], [0, 1, 1, 1], [], []>, transpose_lhs_hint = false} : vector<256x1xf32>, vector<256x256xf32>, vector<1x256xf32> -> vector<1x256xf32>
    %add3A_161 = arith.addf %dot_general3A_157, %dot_general3A_160 : vector<1x256xf32>
    %reshape3A_162 = vector.shape_cast %add3A_161 : vector<1x256xf32> to vector<2x128xf32>
    %slice3A_163 = vector.extract_strided_slice %convert_element_type3A_41 {offsets = [3840, 0], sizes = [256, 1], strides = [1, 1]} : vector<4096x1xf32> to vector<256x1xf32>
    %dot_general3A_164 = arith.constant dense<0.000000e+00> : vector<1x256xf32>
    %dot_general3A_165 = tpu.matmul %slice3A_163, %get3A_44, %dot_general3A_164 {dimension_numbers = #tpu.dot_dimension_numbers<[0], [0], [1], [1], [0, 1, 1, 1], [], []>, transpose_lhs_hint = false} : vector<256x1xf32>, vector<256x256xf32>, vector<1x256xf32> -> vector<1x256xf32>
    %slice3A_166 = vector.extract_strided_slice %sub3A {offsets = [3840, 0], sizes = [256, 1], strides = [1, 1]} : vector<4096x1xf32> to vector<256x1xf32>
    %dot_general3A_167 = arith.constant dense<0.000000e+00> : vector<1x256xf32>
    %dot_general3A_168 = tpu.matmul %slice3A_166, %get3A_44, %dot_general3A_167 {dimension_numbers = #tpu.dot_dimension_numbers<[0], [0], [1], [1], [0, 1, 1, 1], [], []>, transpose_lhs_hint = false} : vector<256x1xf32>, vector<256x256xf32>, vector<1x256xf32> -> vector<1x256xf32>
    %add3A_169 = arith.addf %dot_general3A_165, %dot_general3A_168 : vector<1x256xf32>
    %reshape3A_170 = vector.shape_cast %add3A_169 : vector<1x256xf32> to vector<2x128xf32>
    %concatenate3A = tpu.concatenate %reshape3A, %reshape3A_58, %reshape3A_66, %reshape3A_74, %reshape3A_82, %reshape3A_90, %reshape3A_98, %reshape3A_106, %reshape3A_114, %reshape3A_122, %reshape3A_130, %reshape3A_138, %reshape3A_146, %reshape3A_154, %reshape3A_162, %reshape3A_170 in 0 : vector<2x128xf32>, vector<2x128xf32>, vector<2x128xf32>, vector<2x128xf32>, vector<2x128xf32>, vector<2x128xf32>, vector<2x128xf32>, vector<2x128xf32>, vector<2x128xf32>, vector<2x128xf32>, vector<2x128xf32>, vector<2x128xf32>, vector<2x128xf32>, vector<2x128xf32>, vector<2x128xf32>, vector<2x128xf32> -> vector<32x128xf32>
    %swap3A = arith.constant 0 : index
    %swap3A_171 = arith.constant 0 : index
    %swap3A_172 = vector.load %arg6[%swap3A, %swap3A_171] : memref<32x128xf32, #tpu.memory_space<vmem>>, vector<32x128xf32>
    tpu.vector_store %arg6[%swap3A, %swap3A_171], %concatenate3A {strides = array<i32>} : memref<32x128xf32, #tpu.memory_space<vmem>>, vector<32x128xf32>,
    return
  }
  func.func @transform_0(%arg0: i32) -> (i32, i32) {
    %c0_i32 = arith.constant 0 : i32
    %c0_i32_0 = arith.constant 0 : i32
    return %arg0, %c0_i32 : i32, i32
  }
  func.func @transform_1(%arg0: i32) -> (i32, i32) {
    %c0_i32 = arith.constant 0 : i32
    %c0_i32_0 = arith.constant 0 : i32
    return %arg0, %c0_i32 : i32, i32
  }
  func.func @transform_2(%arg0: i32) -> (i32, i32) {
    %c0_i32 = arith.constant 0 : i32
    %c0_i32_0 = arith.constant 0 : i32
    %c0_i32_1 = arith.constant 0 : i32
    return %c0_i32, %c0_i32_0 : i32, i32
  }
  func.func @transform_3(%arg0: i32) -> (i32, i32) {
    %c0_i32 = arith.constant 0 : i32
    %c0_i32_0 = arith.constant 0 : i32
    %c0_i32_1 = arith.constant 0 : i32
    return %c0_i32, %c0_i32_0 : i32, i32
  }
  func.func @transform_4(%arg0: i32) -> (i32, i32) {
    %c0_i32 = arith.constant 0 : i32
    %c0_i32_0 = arith.constant 0 : i32
    %c0_i32_1 = arith.constant 0 : i32
    return %c0_i32, %c0_i32_0 : i32, i32
  }
  func.func @transform_5(%arg0: i32) -> (i32, i32) {
    %add3A = arith.constant 0 : i32
    %add3A_0 = arith.addi %arg0, %add3A : i32
    %c0_i32 = arith.constant 0 : i32
    %c0_i32_1 = arith.constant 0 : i32
    return %add3A_0, %c0_i32 : i32, i32
  }
}

module attributes {stable_mosaic.version = 14 : i64} {
  func.func @_dense_body(%arg0: i32, %arg1: memref<4096x128xf32, #tpu.memory_space<vmem>>, %arg2: memref<4096x128xf32, #tpu.memory_space<vmem>>, %arg3: memref<128x384xf32, #tpu.memory_space<vmem>>, %arg4: memref<1x384xf32, #tpu.memory_space<vmem>>, %arg5: memref<256x256xf32, #tpu.memory_space<vmem>>, %arg6: memref<128x128xf32, #tpu.memory_space<any>>, %arg7: memref<32x128xf32, #tpu.memory_space<vmem>>) attributes {dimension_semantics = [#tpu.dimension_semantics<parallel>], iteration_bounds = array<i64: 2>, scalar_prefetch = 0 : i64, scratch_operands = 0 : i64, tpu.core_type = #tpu.core_type<tc>, window_params = [{transform_indices = @transform_0, window_bounds = array<i64: 4096, 128>}, {transform_indices = @transform_1, window_bounds = array<i64: 4096, 128>}, {pipeline_mode = #tpu.pipeline_mode<synchronous>, transform_indices = @transform_2, window_bounds = array<i64: 128, 384>}, {pipeline_mode = #tpu.pipeline_mode<synchronous>, transform_indices = @transform_3, window_bounds = array<i64: 1, 384>}, {pipeline_mode = #tpu.pipeline_mode<synchronous>, transform_indices = @transform_4, window_bounds = array<i64: 256, 256>}, {}, {transform_indices = @transform_6, window_bounds = array<i64: 32, 128>}]} {
    %get3A = arith.constant 0 : index
    %get3A_0 = arith.constant 0 : index
    %get3A_1 = vector.load %arg1[%get3A, %get3A_0] : memref<4096x128xf32, #tpu.memory_space<vmem>>, vector<4096x128xf32>
    %get3A_2 = arith.constant 0 : index
    %get3A_3 = arith.constant 0 : index
    %get3A_4 = vector.load %arg3[%get3A_2, %get3A_3] : memref<128x384xf32, #tpu.memory_space<vmem>>, vector<128x384xf32>
    %dot_general3A = arith.constant dense<0.000000e+00> : vector<4096x384xf32>
    %dot_general3A_5 = tpu.matmul %get3A_1, %get3A_4, %dot_general3A {dimension_numbers = #tpu.dot_dimension_numbers<[1], [0], [0], [1], [0, 0, 1, 1], [], []>, transpose_lhs_hint = false} : vector<4096x128xf32>, vector<128x384xf32>, vector<4096x384xf32> -> vector<4096x384xf32>
    %get3A_6 = arith.constant 0 : index
    %get3A_7 = arith.constant 0 : index
    %get3A_8 = vector.load %arg4[%get3A_6, %get3A_7] : memref<1x384xf32, #tpu.memory_space<vmem>>, vector<1x384xf32>
    %add3A = vector.broadcast %get3A_8 : vector<1x384xf32> to vector<4096x384xf32>
    %add3A_9 = arith.addf %dot_general3A_5, %add3A : vector<4096x384xf32>
    %get3A_10 = arith.constant 0 : index
    %get3A_11 = arith.constant 0 : index
    %get3A_12 = vector.load %arg2[%get3A_10, %get3A_11] : memref<4096x128xf32, #tpu.memory_space<vmem>>, vector<4096x128xf32>
    %get3A_13 = arith.constant 0 : index
    %get3A_14 = arith.constant 0 : index
    %get3A_15 = vector.load %arg3[%get3A_13, %get3A_14] : memref<128x384xf32, #tpu.memory_space<vmem>>, vector<128x384xf32>
    %dot_general3A_16 = arith.constant dense<0.000000e+00> : vector<4096x384xf32>
    %dot_general3A_17 = tpu.matmul %get3A_12, %get3A_15, %dot_general3A_16 {dimension_numbers = #tpu.dot_dimension_numbers<[1], [0], [0], [1], [0, 0, 1, 1], [], []>, transpose_lhs_hint = false} : vector<4096x128xf32>, vector<128x384xf32>, vector<4096x384xf32> -> vector<4096x384xf32>
    %get3A_18 = arith.constant 0 : index
    %get3A_19 = arith.constant 0 : index
    %get3A_20 = vector.load %arg4[%get3A_18, %get3A_19] : memref<1x384xf32, #tpu.memory_space<vmem>>, vector<1x384xf32>
    %add3A_21 = vector.broadcast %get3A_20 : vector<1x384xf32> to vector<4096x384xf32>
    %add3A_22 = arith.addf %dot_general3A_17, %add3A_21 : vector<4096x384xf32>
    %max3A = arith.constant 0.000000e+00 : f32
    %max3A_23 = vector.broadcast %max3A : f32 to vector<4096x384xf32>
    %max3A_24 = arith.maximumf %add3A_9, %max3A_23 : vector<4096x384xf32>
    %max3A_25 = arith.constant 0.000000e+00 : f32
    %max3A_26 = vector.broadcast %max3A_25 : f32 to vector<4096x384xf32>
    %max3A_27 = arith.maximumf %add3A_22, %max3A_26 : vector<4096x384xf32>
    %mul3A = arith.mulf %max3A_24, %max3A_27 : vector<4096x384xf32>
    %reduce_sum3A = arith.constant dense<0.000000e+00> : vector<4096xf32>
    %reduce_sum3A_28 = vector.multi_reduction <add>, %mul3A, %reduce_sum3A [1] : vector<4096x384xf32> to vector<4096xf32>
    %broadcast_in_dim3A = vector.shape_cast %reduce_sum3A_28 : vector<4096xf32> to vector<4096x1xf32>
    %mul3A_29 = arith.mulf %max3A_24, %max3A_24 : vector<4096x384xf32>
    %reduce_sum3A_30 = arith.constant dense<0.000000e+00> : vector<4096xf32>
    %reduce_sum3A_31 = vector.multi_reduction <add>, %mul3A_29, %reduce_sum3A_30 [1] : vector<4096x384xf32> to vector<4096xf32>
    %broadcast_in_dim3A_32 = vector.shape_cast %reduce_sum3A_31 : vector<4096xf32> to vector<4096x1xf32>
    %mul3A_33 = arith.mulf %max3A_27, %max3A_27 : vector<4096x384xf32>
    %reduce_sum3A_34 = arith.constant dense<0.000000e+00> : vector<4096xf32>
    %reduce_sum3A_35 = vector.multi_reduction <add>, %mul3A_33, %reduce_sum3A_34 [1] : vector<4096x384xf32> to vector<4096xf32>
    %broadcast_in_dim3A_36 = vector.shape_cast %reduce_sum3A_35 : vector<4096xf32> to vector<4096x1xf32>
    %mul3A_37 = arith.mulf %broadcast_in_dim3A_32, %broadcast_in_dim3A_36 : vector<4096x1xf32>
    %sqrt3A = math.sqrt %mul3A_37 : vector<4096x1xf32>
    %max3A_38 = arith.constant 9.99999993E-9 : f32
    %max3A_39 = vector.broadcast %max3A_38 : f32 to vector<4096x1xf32>
    %max3A_40 = arith.maximumf %sqrt3A, %max3A_39 : vector<4096x1xf32>
    %div3A = arith.divf %broadcast_in_dim3A, %max3A_40 : vector<4096x1xf32>
    %convert_element_type3A = arith.truncf %div3A : vector<4096x1xf32> to vector<4096x1xbf16>
    %convert_element_type3A_41 = arith.extf %convert_element_type3A : vector<4096x1xbf16> to vector<4096x1xf32>
    %sub3A = arith.subf %div3A, %convert_element_type3A_41 : vector<4096x1xf32>
    %get3A_42 = arith.constant 0 : index
    %get3A_43 = arith.constant 0 : index
    %get3A_44 = vector.load %arg5[%get3A_42, %get3A_43] : memref<256x256xf32, #tpu.memory_space<vmem>>, vector<256x256xf32>
    %slice3A = vector.extract_strided_slice %convert_element_type3A_41 {offsets = [0, 0], sizes = [256, 1], strides = [1, 1]} : vector<4096x1xf32> to vector<256x1xf32>
    %dot_general3A_45 = arith.constant dense<0.000000e+00> : vector<1x256xf32>
    %dot_general3A_46 = tpu.matmul %slice3A, %get3A_44, %dot_general3A_45 {dimension_numbers = #tpu.dot_dimension_numbers<[0], [0], [1], [1], [0, 1, 1, 1], [], []>, transpose_lhs_hint = false} : vector<256x1xf32>, vector<256x256xf32>, vector<1x256xf32> -> vector<1x256xf32>
    %slice3A_47 = vector.extract_strided_slice %sub3A {offsets = [0, 0], sizes = [256, 1], strides = [1, 1]} : vector<4096x1xf32> to vector<256x1xf32>
    %dot_general3A_48 = arith.constant dense<0.000000e+00> : vector<1x256xf32>
    %dot_general3A_49 = tpu.matmul %slice3A_47, %get3A_44, %dot_general3A_48 {dimension_numbers = #tpu.dot_dimension_numbers<[0], [0], [1], [1], [0, 1, 1, 1], [], []>, transpose_lhs_hint = false} : vector<256x1xf32>, vector<256x256xf32>, vector<1x256xf32> -> vector<1x256xf32>
    %add3A_50 = arith.addf %dot_general3A_46, %dot_general3A_49 : vector<1x256xf32>
    %reshape3A = vector.shape_cast %add3A_50 : vector<1x256xf32> to vector<2x128xf32>
    %slice3A_51 = vector.extract_strided_slice %convert_element_type3A_41 {offsets = [256, 0], sizes = [256, 1], strides = [1, 1]} : vector<4096x1xf32> to vector<256x1xf32>
    %dot_general3A_52 = arith.constant dense<0.000000e+00> : vector<1x256xf32>
    %dot_general3A_53 = tpu.matmul %slice3A_51, %get3A_44, %dot_general3A_52 {dimension_numbers = #tpu.dot_dimension_numbers<[0], [0], [1], [1], [0, 1, 1, 1], [], []>, transpose_lhs_hint = false} : vector<256x1xf32>, vector<256x256xf32>, vector<1x256xf32> -> vector<1x256xf32>
    %slice3A_54 = vector.extract_strided_slice %sub3A {offsets = [256, 0], sizes = [256, 1], strides = [1, 1]} : vector<4096x1xf32> to vector<256x1xf32>
    %dot_general3A_55 = arith.constant dense<0.000000e+00> : vector<1x256xf32>
    %dot_general3A_56 = tpu.matmul %slice3A_54, %get3A_44, %dot_general3A_55 {dimension_numbers = #tpu.dot_dimension_numbers<[0], [0], [1], [1], [0, 1, 1, 1], [], []>, transpose_lhs_hint = false} : vector<256x1xf32>, vector<256x256xf32>, vector<1x256xf32> -> vector<1x256xf32>
    %add3A_57 = arith.addf %dot_general3A_53, %dot_general3A_56 : vector<1x256xf32>
    %reshape3A_58 = vector.shape_cast %add3A_57 : vector<1x256xf32> to vector<2x128xf32>
    %slice3A_59 = vector.extract_strided_slice %convert_element_type3A_41 {offsets = [512, 0], sizes = [256, 1], strides = [1, 1]} : vector<4096x1xf32> to vector<256x1xf32>
    %dot_general3A_60 = arith.constant dense<0.000000e+00> : vector<1x256xf32>
    %dot_general3A_61 = tpu.matmul %slice3A_59, %get3A_44, %dot_general3A_60 {dimension_numbers = #tpu.dot_dimension_numbers<[0], [0], [1], [1], [0, 1, 1, 1], [], []>, transpose_lhs_hint = false} : vector<256x1xf32>, vector<256x256xf32>, vector<1x256xf32> -> vector<1x256xf32>
    %slice3A_62 = vector.extract_strided_slice %sub3A {offsets = [512, 0], sizes = [256, 1], strides = [1, 1]} : vector<4096x1xf32> to vector<256x1xf32>
    %dot_general3A_63 = arith.constant dense<0.000000e+00> : vector<1x256xf32>
    %dot_general3A_64 = tpu.matmul %slice3A_62, %get3A_44, %dot_general3A_63 {dimension_numbers = #tpu.dot_dimension_numbers<[0], [0], [1], [1], [0, 1, 1, 1], [], []>, transpose_lhs_hint = false} : vector<256x1xf32>, vector<256x256xf32>, vector<1x256xf32> -> vector<1x256xf32>
    %add3A_65 = arith.addf %dot_general3A_61, %dot_general3A_64 : vector<1x256xf32>
    %reshape3A_66 = vector.shape_cast %add3A_65 : vector<1x256xf32> to vector<2x128xf32>
    %slice3A_67 = vector.extract_strided_slice %convert_element_type3A_41 {offsets = [768, 0], sizes = [256, 1], strides = [1, 1]} : vector<4096x1xf32> to vector<256x1xf32>
    %dot_general3A_68 = arith.constant dense<0.000000e+00> : vector<1x256xf32>
    %dot_general3A_69 = tpu.matmul %slice3A_67, %get3A_44, %dot_general3A_68 {dimension_numbers = #tpu.dot_dimension_numbers<[0], [0], [1], [1], [0, 1, 1, 1], [], []>, transpose_lhs_hint = false} : vector<256x1xf32>, vector<256x256xf32>, vector<1x256xf32> -> vector<1x256xf32>
    %slice3A_70 = vector.extract_strided_slice %sub3A {offsets = [768, 0], sizes = [256, 1], strides = [1, 1]} : vector<4096x1xf32> to vector<256x1xf32>
    %dot_general3A_71 = arith.constant dense<0.000000e+00> : vector<1x256xf32>
    %dot_general3A_72 = tpu.matmul %slice3A_70, %get3A_44, %dot_general3A_71 {dimension_numbers = #tpu.dot_dimension_numbers<[0], [0], [1], [1], [0, 1, 1, 1], [], []>, transpose_lhs_hint = false} : vector<256x1xf32>, vector<256x256xf32>, vector<1x256xf32> -> vector<1x256xf32>
    %add3A_73 = arith.addf %dot_general3A_69, %dot_general3A_72 : vector<1x256xf32>
    %reshape3A_74 = vector.shape_cast %add3A_73 : vector<1x256xf32> to vector<2x128xf32>
    %slice3A_75 = vector.extract_strided_slice %convert_element_type3A_41 {offsets = [1024, 0], sizes = [256, 1], strides = [1, 1]} : vector<4096x1xf32> to vector<256x1xf32>
    %dot_general3A_76 = arith.constant dense<0.000000e+00> : vector<1x256xf32>
    %dot_general3A_77 = tpu.matmul %slice3A_75, %get3A_44, %dot_general3A_76 {dimension_numbers = #tpu.dot_dimension_numbers<[0], [0], [1], [1], [0, 1, 1, 1], [], []>, transpose_lhs_hint = false} : vector<256x1xf32>, vector<256x256xf32>, vector<1x256xf32> -> vector<1x256xf32>
    %slice3A_78 = vector.extract_strided_slice %sub3A {offsets = [1024, 0], sizes = [256, 1], strides = [1, 1]} : vector<4096x1xf32> to vector<256x1xf32>
    %dot_general3A_79 = arith.constant dense<0.000000e+00> : vector<1x256xf32>
    %dot_general3A_80 = tpu.matmul %slice3A_78, %get3A_44, %dot_general3A_79 {dimension_numbers = #tpu.dot_dimension_numbers<[0], [0], [1], [1], [0, 1, 1, 1], [], []>, transpose_lhs_hint = false} : vector<256x1xf32>, vector<256x256xf32>, vector<1x256xf32> -> vector<1x256xf32>
    %add3A_81 = arith.addf %dot_general3A_77, %dot_general3A_80 : vector<1x256xf32>
    %reshape3A_82 = vector.shape_cast %add3A_81 : vector<1x256xf32> to vector<2x128xf32>
    %slice3A_83 = vector.extract_strided_slice %convert_element_type3A_41 {offsets = [1280, 0], sizes = [256, 1], strides = [1, 1]} : vector<4096x1xf32> to vector<256x1xf32>
    %dot_general3A_84 = arith.constant dense<0.000000e+00> : vector<1x256xf32>
    %dot_general3A_85 = tpu.matmul %slice3A_83, %get3A_44, %dot_general3A_84 {dimension_numbers = #tpu.dot_dimension_numbers<[0], [0], [1], [1], [0, 1, 1, 1], [], []>, transpose_lhs_hint = false} : vector<256x1xf32>, vector<256x256xf32>, vector<1x256xf32> -> vector<1x256xf32>
    %slice3A_86 = vector.extract_strided_slice %sub3A {offsets = [1280, 0], sizes = [256, 1], strides = [1, 1]} : vector<4096x1xf32> to vector<256x1xf32>
    %dot_general3A_87 = arith.constant dense<0.000000e+00> : vector<1x256xf32>
    %dot_general3A_88 = tpu.matmul %slice3A_86, %get3A_44, %dot_general3A_87 {dimension_numbers = #tpu.dot_dimension_numbers<[0], [0], [1], [1], [0, 1, 1, 1], [], []>, transpose_lhs_hint = false} : vector<256x1xf32>, vector<256x256xf32>, vector<1x256xf32> -> vector<1x256xf32>
    %add3A_89 = arith.addf %dot_general3A_85, %dot_general3A_88 : vector<1x256xf32>
    %reshape3A_90 = vector.shape_cast %add3A_89 : vector<1x256xf32> to vector<2x128xf32>
    %slice3A_91 = vector.extract_strided_slice %convert_element_type3A_41 {offsets = [1536, 0], sizes = [256, 1], strides = [1, 1]} : vector<4096x1xf32> to vector<256x1xf32>
    %dot_general3A_92 = arith.constant dense<0.000000e+00> : vector<1x256xf32>
    %dot_general3A_93 = tpu.matmul %slice3A_91, %get3A_44, %dot_general3A_92 {dimension_numbers = #tpu.dot_dimension_numbers<[0], [0], [1], [1], [0, 1, 1, 1], [], []>, transpose_lhs_hint = false} : vector<256x1xf32>, vector<256x256xf32>, vector<1x256xf32> -> vector<1x256xf32>
    %slice3A_94 = vector.extract_strided_slice %sub3A {offsets = [1536, 0], sizes = [256, 1], strides = [1, 1]} : vector<4096x1xf32> to vector<256x1xf32>
    %dot_general3A_95 = arith.constant dense<0.000000e+00> : vector<1x256xf32>
    %dot_general3A_96 = tpu.matmul %slice3A_94, %get3A_44, %dot_general3A_95 {dimension_numbers = #tpu.dot_dimension_numbers<[0], [0], [1], [1], [0, 1, 1, 1], [], []>, transpose_lhs_hint = false} : vector<256x1xf32>, vector<256x256xf32>, vector<1x256xf32> -> vector<1x256xf32>
    %add3A_97 = arith.addf %dot_general3A_93, %dot_general3A_96 : vector<1x256xf32>
    %reshape3A_98 = vector.shape_cast %add3A_97 : vector<1x256xf32> to vector<2x128xf32>
    %slice3A_99 = vector.extract_strided_slice %convert_element_type3A_41 {offsets = [1792, 0], sizes = [256, 1], strides = [1, 1]} : vector<4096x1xf32> to vector<256x1xf32>
    %dot_general3A_100 = arith.constant dense<0.000000e+00> : vector<1x256xf32>
    %dot_general3A_101 = tpu.matmul %slice3A_99, %get3A_44, %dot_general3A_100 {dimension_numbers = #tpu.dot_dimension_numbers<[0], [0], [1], [1], [0, 1, 1, 1], [], []>, transpose_lhs_hint = false} : vector<256x1xf32>, vector<256x256xf32>, vector<1x256xf32> -> vector<1x256xf32>
    %slice3A_102 = vector.extract_strided_slice %sub3A {offsets = [1792, 0], sizes = [256, 1], strides = [1, 1]} : vector<4096x1xf32> to vector<256x1xf32>
    %dot_general3A_103 = arith.constant dense<0.000000e+00> : vector<1x256xf32>
    %dot_general3A_104 = tpu.matmul %slice3A_102, %get3A_44, %dot_general3A_103 {dimension_numbers = #tpu.dot_dimension_numbers<[0], [0], [1], [1], [0, 1, 1, 1], [], []>, transpose_lhs_hint = false} : vector<256x1xf32>, vector<256x256xf32>, vector<1x256xf32> -> vector<1x256xf32>
    %add3A_105 = arith.addf %dot_general3A_101, %dot_general3A_104 : vector<1x256xf32>
    %reshape3A_106 = vector.shape_cast %add3A_105 : vector<1x256xf32> to vector<2x128xf32>
    %slice3A_107 = vector.extract_strided_slice %convert_element_type3A_41 {offsets = [2048, 0], sizes = [256, 1], strides = [1, 1]} : vector<4096x1xf32> to vector<256x1xf32>
    %dot_general3A_108 = arith.constant dense<0.000000e+00> : vector<1x256xf32>
    %dot_general3A_109 = tpu.matmul %slice3A_107, %get3A_44, %dot_general3A_108 {dimension_numbers = #tpu.dot_dimension_numbers<[0], [0], [1], [1], [0, 1, 1, 1], [], []>, transpose_lhs_hint = false} : vector<256x1xf32>, vector<256x256xf32>, vector<1x256xf32> -> vector<1x256xf32>
    %slice3A_110 = vector.extract_strided_slice %sub3A {offsets = [2048, 0], sizes = [256, 1], strides = [1, 1]} : vector<4096x1xf32> to vector<256x1xf32>
    %dot_general3A_111 = arith.constant dense<0.000000e+00> : vector<1x256xf32>
    %dot_general3A_112 = tpu.matmul %slice3A_110, %get3A_44, %dot_general3A_111 {dimension_numbers = #tpu.dot_dimension_numbers<[0], [0], [1], [1], [0, 1, 1, 1], [], []>, transpose_lhs_hint = false} : vector<256x1xf32>, vector<256x256xf32>, vector<1x256xf32> -> vector<1x256xf32>
    %add3A_113 = arith.addf %dot_general3A_109, %dot_general3A_112 : vector<1x256xf32>
    %reshape3A_114 = vector.shape_cast %add3A_113 : vector<1x256xf32> to vector<2x128xf32>
    %slice3A_115 = vector.extract_strided_slice %convert_element_type3A_41 {offsets = [2304, 0], sizes = [256, 1], strides = [1, 1]} : vector<4096x1xf32> to vector<256x1xf32>
    %dot_general3A_116 = arith.constant dense<0.000000e+00> : vector<1x256xf32>
    %dot_general3A_117 = tpu.matmul %slice3A_115, %get3A_44, %dot_general3A_116 {dimension_numbers = #tpu.dot_dimension_numbers<[0], [0], [1], [1], [0, 1, 1, 1], [], []>, transpose_lhs_hint = false} : vector<256x1xf32>, vector<256x256xf32>, vector<1x256xf32> -> vector<1x256xf32>
    %slice3A_118 = vector.extract_strided_slice %sub3A {offsets = [2304, 0], sizes = [256, 1], strides = [1, 1]} : vector<4096x1xf32> to vector<256x1xf32>
    %dot_general3A_119 = arith.constant dense<0.000000e+00> : vector<1x256xf32>
    %dot_general3A_120 = tpu.matmul %slice3A_118, %get3A_44, %dot_general3A_119 {dimension_numbers = #tpu.dot_dimension_numbers<[0], [0], [1], [1], [0, 1, 1, 1], [], []>, transpose_lhs_hint = false} : vector<256x1xf32>, vector<256x256xf32>, vector<1x256xf32> -> vector<1x256xf32>
    %add3A_121 = arith.addf %dot_general3A_117, %dot_general3A_120 : vector<1x256xf32>
    %reshape3A_122 = vector.shape_cast %add3A_121 : vector<1x256xf32> to vector<2x128xf32>
    %slice3A_123 = vector.extract_strided_slice %convert_element_type3A_41 {offsets = [2560, 0], sizes = [256, 1], strides = [1, 1]} : vector<4096x1xf32> to vector<256x1xf32>
    %dot_general3A_124 = arith.constant dense<0.000000e+00> : vector<1x256xf32>
    %dot_general3A_125 = tpu.matmul %slice3A_123, %get3A_44, %dot_general3A_124 {dimension_numbers = #tpu.dot_dimension_numbers<[0], [0], [1], [1], [0, 1, 1, 1], [], []>, transpose_lhs_hint = false} : vector<256x1xf32>, vector<256x256xf32>, vector<1x256xf32> -> vector<1x256xf32>
    %slice3A_126 = vector.extract_strided_slice %sub3A {offsets = [2560, 0], sizes = [256, 1], strides = [1, 1]} : vector<4096x1xf32> to vector<256x1xf32>
    %dot_general3A_127 = arith.constant dense<0.000000e+00> : vector<1x256xf32>
    %dot_general3A_128 = tpu.matmul %slice3A_126, %get3A_44, %dot_general3A_127 {dimension_numbers = #tpu.dot_dimension_numbers<[0], [0], [1], [1], [0, 1, 1, 1], [], []>, transpose_lhs_hint = false} : vector<256x1xf32>, vector<256x256xf32>, vector<1x256xf32> -> vector<1x256xf32>
    %add3A_129 = arith.addf %dot_general3A_125, %dot_general3A_128 : vector<1x256xf32>
    %reshape3A_130 = vector.shape_cast %add3A_129 : vector<1x256xf32> to vector<2x128xf32>
    %slice3A_131 = vector.extract_strided_slice %convert_element_type3A_41 {offsets = [2816, 0], sizes = [256, 1], strides = [1, 1]} : vector<4096x1xf32> to vector<256x1xf32>
    %dot_general3A_132 = arith.constant dense<0.000000e+00> : vector<1x256xf32>
    %dot_general3A_133 = tpu.matmul %slice3A_131, %get3A_44, %dot_general3A_132 {dimension_numbers = #tpu.dot_dimension_numbers<[0], [0], [1], [1], [0, 1, 1, 1], [], []>, transpose_lhs_hint = false} : vector<256x1xf32>, vector<256x256xf32>, vector<1x256xf32> -> vector<1x256xf32>
    %slice3A_134 = vector.extract_strided_slice %sub3A {offsets = [2816, 0], sizes = [256, 1], strides = [1, 1]} : vector<4096x1xf32> to vector<256x1xf32>
    %dot_general3A_135 = arith.constant dense<0.000000e+00> : vector<1x256xf32>
    %dot_general3A_136 = tpu.matmul %slice3A_134, %get3A_44, %dot_general3A_135 {dimension_numbers = #tpu.dot_dimension_numbers<[0], [0], [1], [1], [0, 1, 1, 1], [], []>, transpose_lhs_hint = false} : vector<256x1xf32>, vector<256x256xf32>, vector<1x256xf32> -> vector<1x256xf32>
    %add3A_137 = arith.addf %dot_general3A_133, %dot_general3A_136 : vector<1x256xf32>
    %reshape3A_138 = vector.shape_cast %add3A_137 : vector<1x256xf32> to vector<2x128xf32>
    %slice3A_139 = vector.extract_strided_slice %convert_element_type3A_41 {offsets = [3072, 0], sizes = [256, 1], strides = [1, 1]} : vector<4096x1xf32> to vector<256x1xf32>
    %dot_general3A_140 = arith.constant dense<0.000000e+00> : vector<1x256xf32>
    %dot_general3A_141 = tpu.matmul %slice3A_139, %get3A_44, %dot_general3A_140 {dimension_numbers = #tpu.dot_dimension_numbers<[0], [0], [1], [1], [0, 1, 1, 1], [], []>, transpose_lhs_hint = false} : vector<256x1xf32>, vector<256x256xf32>, vector<1x256xf32> -> vector<1x256xf32>
    %slice3A_142 = vector.extract_strided_slice %sub3A {offsets = [3072, 0], sizes = [256, 1], strides = [1, 1]} : vector<4096x1xf32> to vector<256x1xf32>
    %dot_general3A_143 = arith.constant dense<0.000000e+00> : vector<1x256xf32>
    %dot_general3A_144 = tpu.matmul %slice3A_142, %get3A_44, %dot_general3A_143 {dimension_numbers = #tpu.dot_dimension_numbers<[0], [0], [1], [1], [0, 1, 1, 1], [], []>, transpose_lhs_hint = false} : vector<256x1xf32>, vector<256x256xf32>, vector<1x256xf32> -> vector<1x256xf32>
    %add3A_145 = arith.addf %dot_general3A_141, %dot_general3A_144 : vector<1x256xf32>
    %reshape3A_146 = vector.shape_cast %add3A_145 : vector<1x256xf32> to vector<2x128xf32>
    %slice3A_147 = vector.extract_strided_slice %convert_element_type3A_41 {offsets = [3328, 0], sizes = [256, 1], strides = [1, 1]} : vector<4096x1xf32> to vector<256x1xf32>
    %dot_general3A_148 = arith.constant dense<0.000000e+00> : vector<1x256xf32>
    %dot_general3A_149 = tpu.matmul %slice3A_147, %get3A_44, %dot_general3A_148 {dimension_numbers = #tpu.dot_dimension_numbers<[0], [0], [1], [1], [0, 1, 1, 1], [], []>, transpose_lhs_hint = false} : vector<256x1xf32>, vector<256x256xf32>, vector<1x256xf32> -> vector<1x256xf32>
    %slice3A_150 = vector.extract_strided_slice %sub3A {offsets = [3328, 0], sizes = [256, 1], strides = [1, 1]} : vector<4096x1xf32> to vector<256x1xf32>
    %dot_general3A_151 = arith.constant dense<0.000000e+00> : vector<1x256xf32>
    %dot_general3A_152 = tpu.matmul %slice3A_150, %get3A_44, %dot_general3A_151 {dimension_numbers = #tpu.dot_dimension_numbers<[0], [0], [1], [1], [0, 1, 1, 1], [], []>, transpose_lhs_hint = false} : vector<256x1xf32>, vector<256x256xf32>, vector<1x256xf32> -> vector<1x256xf32>
    %add3A_153 = arith.addf %dot_general3A_149, %dot_general3A_152 : vector<1x256xf32>
    %reshape3A_154 = vector.shape_cast %add3A_153 : vector<1x256xf32> to vector<2x128xf32>
    %slice3A_155 = vector.extract_strided_slice %convert_element_type3A_41 {offsets = [3584, 0], sizes = [256, 1], strides = [1, 1]} : vector<4096x1xf32> to vector<256x1xf32>
    %dot_general3A_156 = arith.constant dense<0.000000e+00> : vector<1x256xf32>
    %dot_general3A_157 = tpu.matmul %slice3A_155, %get3A_44, %dot_general3A_156 {dimension_numbers = #tpu.dot_dimension_numbers<[0], [0], [1], [1], [0, 1, 1, 1], [], []>, transpose_lhs_hint = false} : vector<256x1xf32>, vector<256x256xf32>, vector<1x256xf32> -> vector<1x256xf32>
    %slice3A_158 = vector.extract_strided_slice %sub3A {offsets = [3584, 0], sizes = [256, 1], strides = [1, 1]} : vector<4096x1xf32> to vector<256x1xf32>
    %dot_general3A_159 = arith.constant dense<0.000000e+00> : vector<1x256xf32>
    %dot_general3A_160 = tpu.matmul %slice3A_158, %get3A_44, %dot_general3A_159 {dimension_numbers = #tpu.dot_dimension_numbers<[0], [0], [1], [1], [0, 1, 1, 1], [], []>, transpose_lhs_hint = false} : vector<256x1xf32>, vector<256x256xf32>, vector<1x256xf32> -> vector<1x256xf32>
    %add3A_161 = arith.addf %dot_general3A_157, %dot_general3A_160 : vector<1x256xf32>
    %reshape3A_162 = vector.shape_cast %add3A_161 : vector<1x256xf32> to vector<2x128xf32>
    %slice3A_163 = vector.extract_strided_slice %convert_element_type3A_41 {offsets = [3840, 0], sizes = [256, 1], strides = [1, 1]} : vector<4096x1xf32> to vector<256x1xf32>
    %dot_general3A_164 = arith.constant dense<0.000000e+00> : vector<1x256xf32>
    %dot_general3A_165 = tpu.matmul %slice3A_163, %get3A_44, %dot_general3A_164 {dimension_numbers = #tpu.dot_dimension_numbers<[0], [0], [1], [1], [0, 1, 1, 1], [], []>, transpose_lhs_hint = false} : vector<256x1xf32>, vector<256x256xf32>, vector<1x256xf32> -> vector<1x256xf32>
    %slice3A_166 = vector.extract_strided_slice %sub3A {offsets = [3840, 0], sizes = [256, 1], strides = [1, 1]} : vector<4096x1xf32> to vector<256x1xf32>
    %dot_general3A_167 = arith.constant dense<0.000000e+00> : vector<1x256xf32>
    %dot_general3A_168 = tpu.matmul %slice3A_166, %get3A_44, %dot_general3A_167 {dimension_numbers = #tpu.dot_dimension_numbers<[0], [0], [1], [1], [0, 1, 1, 1], [], []>, transpose_lhs_hint = false} : vector<256x1xf32>, vector<256x256xf32>, vector<1x256xf32> -> vector<1x256xf32>
    %add3A_169 = arith.addf %dot_general3A_165, %dot_general3A_168 : vector<1x256xf32>
    %reshape3A_170 = vector.shape_cast %add3A_169 : vector<1x256xf32> to vector<2x128xf32>
    %concatenate3A = tpu.concatenate %reshape3A, %reshape3A_58, %reshape3A_66, %reshape3A_74, %reshape3A_82, %reshape3A_90, %reshape3A_98, %reshape3A_106, %reshape3A_114, %reshape3A_122, %reshape3A_130, %reshape3A_138, %reshape3A_146, %reshape3A_154, %reshape3A_162, %reshape3A_170 in 0 : vector<2x128xf32>, vector<2x128xf32>, vector<2x128xf32>, vector<2x128xf32>, vector<2x128xf32>, vector<2x128xf32>, vector<2x128xf32>, vector<2x128xf32>, vector<2x128xf32>, vector<2x128xf32>, vector<2x128xf32>, vector<2x128xf32>, vector<2x128xf32>, vector<2x128xf32>, vector<2x128xf32>, vector<2x128xf32> -> vector<32x128xf32>
    %swap3A = arith.constant 0 : index
    %swap3A_171 = arith.constant 0 : index
    %swap3A_172 = vector.load %arg7[%swap3A, %swap3A_171] : memref<32x128xf32, #tpu.memory_space<vmem>>, vector<32x128xf32>
    tpu.vector_store %arg7[%swap3A, %swap3A_171], %concatenate3A {strides = array<i32>} : memref<32x128xf32, #tpu.memory_space<vmem>>, vector<32x128xf32>,
    return
  }
  func.func @transform_0(%arg0: i32) -> (i32, i32) {
    %c0_i32 = arith.constant 0 : i32
    %c0_i32_0 = arith.constant 0 : i32
    return %arg0, %c0_i32 : i32, i32
  }
  func.func @transform_1(%arg0: i32) -> (i32, i32) {
    %c0_i32 = arith.constant 0 : i32
    %c0_i32_0 = arith.constant 0 : i32
    return %arg0, %c0_i32 : i32, i32
  }
  func.func @transform_2(%arg0: i32) -> (i32, i32) {
    %c0_i32 = arith.constant 0 : i32
    %c0_i32_0 = arith.constant 0 : i32
    %c0_i32_1 = arith.constant 0 : i32
    return %c0_i32, %c0_i32_0 : i32, i32
  }
  func.func @transform_3(%arg0: i32) -> (i32, i32) {
    %c0_i32 = arith.constant 0 : i32
    %c0_i32_0 = arith.constant 0 : i32
    %c0_i32_1 = arith.constant 0 : i32
    return %c0_i32, %c0_i32_0 : i32, i32
  }
  func.func @transform_4(%arg0: i32) -> (i32, i32) {
    %c0_i32 = arith.constant 0 : i32
    %c0_i32_0 = arith.constant 0 : i32
    %c0_i32_1 = arith.constant 0 : i32
    return %c0_i32, %c0_i32_0 : i32, i32
  }
  func.func @transform_6(%arg0: i32) -> (i32, i32) {
    %add3A = arith.constant 2 : i32
    %add3A_0 = arith.addi %arg0, %add3A : i32
    %c0_i32 = arith.constant 0 : i32
    %c0_i32_1 = arith.constant 0 : i32
    return %add3A_0, %c0_i32 : i32, i32
  }
}

</mosaic_0001>

<sc_bundles>
// kernel: kernel.6.cloned.1.call-start
scs
__scs_entry_jumppad:
0x0: {  	(pc) =	sbr.rel $0x88, $3  }
0x1: {  	(tag) =	ssettag $0x0;
	lr =	simm.s32 $0x1  }
0x2: {  	[smem:$0x3F9B] =	sst lr;
	_ =	strace $0xD0000000  }
0x3: {  	_ = 	snop  }
0x4: {  	_ = 	snop  }
0x5: {  	_ = 	snop  }
0x6: {  	_ = 	snop  }
0x7: {  	_ = 	snop  }
__scs_overlays_trampoline_lowered:
0x8: {  	[smem:$0x3FAA] =	sst s0  }
0x9: {  	[smem:$0x3FAB] =	sst s1  }
0xa: {  	[smem:$0x3FAC] =	sst s2  }
0xb: {  	[smem:$0x3FAD] =	sst s3  }
0xc: {  	[smem:$0x3FAE] =	sst s4  }
0xd: {  	[smem:$0x3FAF] =	sst s5  }
0xe: {  	[smem:$0x3FB0] =	sst s6  }
0xf: {  	[smem:$0x3FB1] =	sst s7  }
0x10: {  	[smem:$0x3FB2] =	sst s8  }
0x11: {  	[smem:$0x3FB3] =	sst s9;
	s0 =	simm.s32 @!p0 $0x0  }
0x12: {  	s1 =	sld [smem:$0x3F99];
	s0 =	simm.s32 @p0 $0x1  }
0x13: {  	[smem:$0x3FB4] =	sst s0;
	s0 =	simm.s32 @!p1 $0x0  }
0x14: {  	s2 =	sld [smem:$0x3F98];
	s0 =	simm.s32 @p1 $0x1  }
0x15: {  	[smem:$0x3FB5] =	sst s0;
	s0 =	simm.s32 @!p2 $0x0  }
0x16: {  	s3 =	sld [smem:$0x3FDB];
	s0 =	simm.s32 @p2 $0x1  }
0x17: {  	s4 =	simm.s32 $0x1BF5;
	[smem:$0x3FB7] =	sst s0  }
0x18: {  	s0 =	sld [smem:$0x3F9A];
	_ =	swait.ge [sflag:s4], $0x0  }
0x19: {  	s7 =	sld [smem:$0x3F9B]  }
0x1a: {  	s8 =	sadd.s32 $0xFFFFE003, lr  }
0x1b: {  	s9 =	sadd.s32 $0xFFFFFEF7, lr;
	s5 =	simm.s32 $0xFFFFFFFF;
	p2 =	slt.u32 s8, $0xFFFFF086  }
0x1c: {  	p1 =	slt.u32 s9, $0xF7A;
	s5 =	simm.s32 @!p2 $0x0  }
0x1d: {  	s5 =	simm.s32 @p1 $0x1;
	p0 =	seq.s32 s7, s2  }
0x1e: {  	s7 =	smul.u32 @!p0 $0xF7A, s2;
	p2 =	seq.s32 @!p0 s5, $0x0  }
0x1f: {  	s9 =	smul.u32 $0xF7A, s1;
	s8 =	simm.s32 @!p0 $0x1BF5;
	p2 =	por !p2, p0  }
0x20: {  	[sflag:s8] =	ssyncset.s32 @!p0 $0xFFFFF086;
	s6 =	sadd.s32 @!p0 s3, s7;
	s7 =	simm.s32 @!p0 $0x108  }
0x21: {  	s3 =	sadd.s32 s3, s9;
	s6 =	sadd.s32 @!p0 $0x88, s6;
	s7 =	simm.s32 @p2 $0x1082  }
0x22: {  	[simem:s7], [sflag:s8] =	dma.local @!p0 [hbm:s6], $0xF7A  }
0x23: {  	s9 =	sor.u32 $0xD0000000, s2;
	s6 =	simm.s32 $0x108;
	_ =	swait.ge @!p0 [sflag:s8], $0x0  }
0x24: {  	s3 =	sadd.s32 $0x88, s3;
	s6 =	simm.s32 @!p1 $0x1082;
	[sflag:s4] =	ssyncset.s32 $0xFFFFF086  }
0x25: {  	[simem:s6], [sflag:s4] =	dma.local [hbm:s3], $0xF7A  }
0x26: {  	[smem:$0x3F9B] =	sst s1;
	(tag) =	ssettag s2;
	_ =	strace s9  }
0x27: {  	s1 =	sld [smem:$0x3FAB]  }
0x28: {  	s2 =	sld [smem:$0x3FAC]  }
0x29: {  	s4 =	sld [smem:$0x3FAE]  }
0x2a: {  	p0 =	seq.s32 s5, $0x0;
	s5 =	sld [smem:$0x3FAF]  }
0x2b: {  	s6 =	sld [smem:$0x3FB0]  }
0x2c: {  	s7 =	sld [smem:$0x3FB1]  }
0x2d: {  	s3 =	simm.s32 $0x108;
	s8 =	sld [smem:$0x3FB2]  }
0x2e: {  	s3 =	simm.s32 @!p0 $0x1082;
	s9 =	sld [smem:$0x3FB3]  }
0x2f: {  	lr =	sadd.s32 s0, s3;
	s0 =	sld [smem:$0x3FAA]  }
0x30: {  	s3 =	sld [smem:$0x3FAD]  }
0x31: {  	[smem:$0x3FB6] =	sst s10  }
0x32: {  	s10 =	sld [smem:$0x3FB4];
	_ =	sdelay $0x3  }
0x33: {  	p0 =	seq.s32 s10, $0x1;
	s10 =	sld [smem:$0x3FB6];
	_ =	sdelay $0x3  }
0x34: {  	[smem:$0x3FB6] =	sst s10  }
0x35: {  	s10 =	sld [smem:$0x3FB5];
	_ =	sdelay $0x3  }
0x36: {  	p1 =	seq.s32 s10, $0x1;
	s10 =	sld [smem:$0x3FB6];
	_ =	sdelay $0x3  }
0x37: {  	[smem:$0x3FB6] =	sst s10  }
0x38: {  	s10 =	sld [smem:$0x3FB7]  }
0x39: {  	_ = 	snop;
	(pc) =	sbr.ind lr, $3  }
0x3a: {  	_ = 	snop  }
0x3b: {  	_ = 	snop  }
0x3c: {  	p2 =	seq.s32 s10, $0x1;
	s10 =	sld [smem:$0x3FB6]  }
0x3d: {  	_ =	shalt  }
0x3e: {  	_ =	shalt  }
0x3f: {  	_ =	shalt  }
0x40: {  	_ =	shalt  }
0x41: {  	_ =	shalt  }
0x42: {  	_ =	shalt  }
0x43: {  	_ =	shalt  }
0x44: {  	_ =	shalt  }
0x45: {  	_ =	shalt  }
0x46: {  	_ =	shalt  }
0x47: {  	_ =	shalt  }
0x48: {  	_ =	shalt  }
0x49: {  	_ =	shalt  }
0x4a: {  	_ =	shalt  }
0x4b: {  	_ =	shalt  }
0x4c: {  	_ =	shalt  }
0x4d: {  	_ =	shalt  }
0x4e: {  	_ =	shalt  }
0x4f: {  	_ =	shalt  }
0x50: {  	_ =	shalt  }
0x51: {  	_ =	shalt  }
0x52: {  	_ =	shalt  }
0x53: {  	_ =	shalt  }
0x54: {  	_ =	shalt  }
0x55: {  	_ =	shalt  }
0x56: {  	_ =	shalt  }
0x57: {  	_ =	shalt  }
0x58: {  	_ =	shalt  }
0x59: {  	_ =	shalt  }
0x5a: {  	_ =	shalt  }
0x5b: {  	_ =	shalt  }
0x5c: {  	_ =	shalt  }
0x5d: {  	_ =	shalt  }
0x5e: {  	_ =	shalt  }
0x5f: {  	_ =	shalt  }
0x60: {  	_ =	shalt  }
0x61: {  	_ =	shalt  }
0x62: {  	_ =	shalt  }
0x63: {  	_ =	shalt  }
0x64: {  	_ =	shalt  }
0x65: {  	_ =	shalt  }
0x66: {  	_ =	shalt  }
0x67: {  	_ =	shalt  }
0x68: {  	_ =	shalt  }
0x69: {  	_ =	shalt  }
0x6a: {  	_ =	shalt  }
0x6b: {  	_ =	shalt  }
0x6c: {  	_ =	shalt  }
0x6d: {  	_ =	shalt  }
0x6e: {  	_ =	shalt  }
0x6f: {  	_ =	shalt  }
0x70: {  	_ =	shalt  }
0x71: {  	_ =	shalt  }
0x72: {  	_ =	shalt  }
0x73: {  	_ =	shalt  }
0x74: {  	_ =	shalt  }
0x75: {  	_ =	shalt  }
0x76: {  	_ =	shalt  }
0x77: {  	_ =	shalt  }
0x78: {  	_ =	shalt  }
0x79: {  	_ =	shalt  }
0x7a: {  	_ =	shalt  }
0x7b: {  	_ =	shalt  }
0x7c: {  	_ =	shalt  }
0x7d: {  	_ =	shalt  }
0x7e: {  	_ =	shalt  }
0x7f: {  	_ =	shalt  }
0x80: {  	_ =	shalt  }
0x81: {  	_ =	shalt  }
0x82: {  	_ =	shalt  }
0x83: {  	_ =	shalt  }
0x84: {  	_ =	shalt  }
0x85: {  	_ =	shalt  }
0x86: {  	_ =	shalt  }
0x87: {  	_ =	shalt  }
.Lfunc_end0:
.L_simem_size_0:
called_computation_lowered:
.L_overlay_start_0:
0x88: {  	s2 =	sld [smem:$0x3FD9]  }
0x89: {  	s3 =	sld [smem:$0x3FFE];
	_ =	sdelay $0x1  }
0x8a: {  	s1 =	srdreg.scid  }
0x8b: {  	s0 =	sand.u32 $0x1, s1  }
0x8c: {  	s17 =	sshll.u32 s0, $0xA;
	s2 =	sadd.s32 s3, s2  }
0x8d: {  	s2 =	sadd.s32 s2, s17  }
0x8e: {  	[smem:$0x3FC2] =	sst s2  }
0x8f: {  	_ = 	snop  }
0x90: {  	s2 =	sld [smem:$0x3FC9]  }
0x91: {  	s18 =	sld [smem:$0x3FC8]  }
0x92: {  	s4 =	sld [smem:$0x3FC7]  }
0x93: {  	s5 =	sld [smem:$0x3FC6];
	(tm) =	ssettm $0x1  }
0x94: {  	s6 =	sld [smem:$0x3FFB];
	_ =	sdelay $0x3  }
0x95: {  	_ =	strace s6  }
0x96: {  	s6 =	sld [smem:$0x3FFC];
	_ =	sdelay $0x3  }
0x97: {  	_ =	strace s6  }
0x98: {  	s6 =	sld [smem:$0x3FFD];
	_ =	sdelay $0x3  }
0x99: {  	_ =	strace s6  }
0x9a: {  	_ =	strace $0x8FFFFFFF  }
0x9b: {  	s19 =	sld [smem:$0x3FDB];
	_ =	sdelay $0x1  }
0x9c: {  	s7 =	simm.s32 $_scs_section_size  }
0x9d: {  	s8 =	simm.s32 $_size__tile_overlayer_lowered;
	s9 =	simm.s32 $_tile_overlayer_lowered  }
0x9e: {  	s22 =	simm.s32 $0x1BFF;
	s21 =	sshll.u32 s9, $0x1;
	s6 =	sadd.s32 s7, s19  }
0x9f: {  	s10 =	simm.s32 $0x0;
	s20 =	sshll.u32 s8, $0x1;
	s8 =	sadd.s32 s21, s6  }
0xa0: {  	[timem:s10], [sflag:s22] =	dma.local [hbm:s8], s20  }
0xa1: {  	_ =	swait.ge [sflag:s22], s20  }
0xa2: {  	s7 =	ssub.s32 $0x0, s20;
	[sflag:s22] =	ssyncset.done $0x0  }
0xa3: {  	[sflag:s22] =	ssyncadd.s32 s7;
	_ =	sdelay $0x1  }
0xa4: {  	s23 =	simm.s32 $0x1B8B  }
0xa5: {  	_ =	swait.ge [sflag:s23], $0x1  }
0xa6: {  	[sflag:s23] =	ssyncset.done $0x0  }
0xa7: {  	s25 =	simm.s32 $0x1B8E;
	s24 =	sld [smem:$0x3FFE];
	[sflag:s23] =	ssyncadd.s32 $0xFFFFFFFF  }
0xa8: {  	s26 =	simm.s32 $execute0_lowered;
	[smem:$0x3FD2] =	sst s25  }
0xa9: {  	s8 =	sshll.u32 s26, $0x1;
	_ =	strace $0x80000046;
	[dreg:$0x1] =	wrdreg $0xFFFFFFFF  }
0xaa: {  	s28 =	simm.s32 $_size_execute0_lowered;
	s6 =	sadd.s32 s6, s8;
	[dreg:$0x0] =	wrdreg $0x0  }
0xab: {  	s8 =	sshll.u32 s28, $0x1;
	[dreg:$0x2] =	wrdreg s6  }
0xac: {  	[dreg:$0x3] =	wrdreg s8  }
0xad: {  	[dreg:$0x4] =	wrdreg $0xC0  }
0xae: {  	_ =	task [dreg:s10], $0x5FFFF  }
0xaf: {  	[dreg:$0x1] =	wrdreg $0xFFFFFFFF  }
0xb0: {  	[dreg:$0x0] =	wrdreg $0x60  }
0xb1: {  	[dreg:$0x2] =	wrdreg s4  }
0xb2: {  	[dreg:$0x3] =	wrdreg s5  }
0xb3: {  	[dreg:$0x4] =	wrdreg s2  }
0xb4: {  	[dreg:$0x5] =	wrdreg s18  }
0xb5: {  	[dreg:$0x6] =	wrdreg s24  }
0xb6: {  	[dreg:$0x7] =	wrdreg $0x9  }
0xb7: {  	_ =	task.clear_ibuf [dreg:s10], $0x8FFFF;
	_ =	strace $0x90000046  }
0xb8: {  	s29 =	simm.s32 $0x9;
	_ =	strace $0x80000048  }
0xb9: {  	_ =	swait.ge [sflag:s29], $0x1  }
0xba: {  	[sflag:s29] =	ssyncadd.s32 $0xFFFFFFFF  }
0xbb: {  	_ =	strace $0x90000048  }
0xbc: {  	_ =	sfence  }
0xbd: {  	s30 =	sld [smem:$0x0];
	_ =	sdelay $0x2  }
0xbe: {  	s31 =	sshll.u32 s1, $0xD;
	s1 =	sshrl.u32 s1, $0x2  }
0xbf: {  	s3 =	sand.u32 $0x4000, s31;
	s1 =	sadd.s32 s1, s30  }
0xc0: {  	s0 =	sor.u32 s3, s0;
	s1 =	sshll.u32 s1, $0x11  }
0xc1: {  	s0 =	sor.u32 s1, s0  }
0xc2: {  	s0 =	sadd.s32 $0x8F2B, s0  }
0xc3: {  	[sflag:s0] =	ssyncadd.remote.s32 $0x1  }
0xc4: {  	_ =	sfence.sel $0xFFFF  }
0xc5: {  	[dreg:$0x0] =	wrdreg $0xFFFFFFFF;
	(pc) =	sbr.abs _section_cstart, $3  }
0xc6: {  	[dreg:$0x1] =	wrdreg $0xFFFFFFFF  }
0xc7: {  	_ =	task.clear_ibuf [dreg:s10], $0x2FFFF;
	_ =	strace $0x9FFFFFFF  }
0xc8: {  	(tm) =	ssettm $0x7FFFFFFF  }
0xc9: {  	_ =	shalt  }
tec
execute0_lowered:
.L_overlay_start_1:
0x0: {  	(tag) =	ssettag $0x1  }
0x1: {  	s1 =	rddreg [dreg:$0x0]  }
0x2: {  	s2 =	rddreg [dreg:$0x1]  }
0x3: {  	s5 =	rddreg [dreg:$0x2]  }
0x4: {  	s3 =	srdreg.scid;
	s0 =	stileid.u32  }
0x5: {  	s6 =	rddreg [dreg:$0x3];
	s24 =	sand.u32 $0x1, s3;
	s7 =	sshll.u32 s0, $0x1  }
0x6: {  	s20 =	rddreg [dreg:$0x4];
	s4 =	simm.s32 $0x0;
	s16 =	sor.u32 s24, s7  }
0x7: {  	[smem:$0x7FF] =	sst s4;
	s7 =	sshll.u32 s16, $0x5  }
0x8: {  	s3 =	rddreg [dreg:$0x5];
	_ =	strace $0x80000047;
	s5 =	sadd.s32 s5, s7  }
0x9: {  	[tilespmem:s4], [sflag:$0x1] =	stream.linear.gather [hbm4b:s5+s4], $0x100, $0x38;
	[tilespmem:$0x10200] =	vst v63  }
0xa: {  	s8 =	simm.s32 $0x1;
	s6 =	sadd.s32 s6, s7;
	s7 =	simm.s32 $0x100  }
0xb: {  	[tilespmem:s7], [sflag:$0x5] =	stream.linear.gather [hbm4b:s6+s4], $0x100, $0x38;
	[tilespmem:$0x10200] =	vst v63  }
0xc: {  	_ =	swait.ge [sflag:s8], $0x100  }
0xd: {  	[sflag:s8] =	ssyncset.done $0x0  }
0xe: {  	s9 =	simm.s32 $0x5;
	[sflag:s8] =	ssyncadd.s32 $0xFFFFFF00  }
0xf: {  	_ =	swait.ge [sflag:s9], $0x100  }
0x10: {  	[sflag:s9] =	ssyncset.done $0x0  }
0x11: {  	s10 =	simm.s32 $0x80;
	s11 =	simm.s32 $0x200;
	[sflag:s9] =	ssyncadd.s32 $0xFFFFFF00  }
0x12: {  	[tilespmem:s11], [sflag:$0x1] =	stream.indirect.gather [hbm4b:s1+s10], $0x80, s4, s10, $0xb8;
	[tilespmem:$0x10200] =	vst v63  }
0x13: {  	s12 =	simm.s32 $0x4200  }
0x14: {  	[tilespmem:s12], [sflag:$0x2] =	stream.indirect.gather [hbm4b:s1+s10], $0x80, s10, s10, $0xb8;
	[tilespmem:$0x10200] =	vst v63  }
0x15: {  	s13 =	simm.s32 $0x8200  }
0x16: {  	[tilespmem:s13], [sflag:$0x3] =	stream.indirect.gather [hbm4b:s2+s10], $0x80, s7, s10, $0xb8;
	[tilespmem:$0x10200] =	vst v63  }
0x17: {  	s14 =	simm.s32 $0x180;
	s15 =	simm.s32 $0xC200  }
0x18: {  	[tilespmem:s15], [sflag:$0x4] =	stream.indirect.gather [hbm4b:s2+s10], $0x80, s14, s10, $0xb8;
	[tilespmem:$0x10200] =	vst v63  }
0x19: {  	_ =	swait.ge [sflag:s8], $0x4000  }
0x1a: {  	s18 =	sadd.s32 $0x1C00, s20;
	s21 =	sshll.u32 s16, $0xC;
	[sflag:s8] =	ssyncset.done $0x0  }
0x1b: {  	s17 =	simm.s32 $0x2;
	s16 =	sadd.s32 s18, s21;
	[sflag:s8] =	ssyncadd.s32 $0xFFFFC000  }
0x1c: {  	[hbm4b:s16+s4] =	stream.linear.scatter [tilespmem:s11], [sflag:$0x5], $0x4000, $0x38;
	[tilespmem:$0x10200] =	vst v63  }
0x1d: {  	_ =	swait.ge [sflag:s17], $0x4000  }
0x1e: {  	s22 =	sor.u32 $0x800, s21;
	[sflag:s17] =	ssyncset.done $0x0  }
0x1f: {  	s19 =	simm.s32 $0x3;
	s18 =	sadd.s32 s18, s22;
	[sflag:s17] =	ssyncadd.s32 $0xFFFFC000  }
0x20: {  	[hbm4b:s18+s4] =	stream.linear.scatter [tilespmem:s12], [sflag:$0x6], $0x4000, $0x38;
	[tilespmem:$0x10200] =	vst v63  }
0x21: {  	_ =	swait.ge [sflag:s19], $0x4000  }
0x22: {  	s23 =	sadd.s32 $0x21C00, s20;
	[sflag:s19] =	ssyncset.done $0x0  }
0x23: {  	s20 =	sadd.s32 s23, s21;
	s21 =	simm.s32 $0x4;
	[sflag:s19] =	ssyncadd.s32 $0xFFFFC000  }
0x24: {  	[hbm4b:s20+s4] =	stream.linear.scatter [tilespmem:s13], [sflag:$0x7], $0x4000, $0x38;
	[tilespmem:$0x10200] =	vst v63  }
0x25: {  	_ =	swait.ge [sflag:s21], $0x4000  }
0x26: {  	[sflag:s21] =	ssyncset.done $0x0  }
0x27: {  	s22 =	sadd.s32 s23, s22;
	[sflag:s21] =	ssyncadd.s32 $0xFFFFC000  }
0x28: {  	[hbm4b:s22+s4] =	stream.linear.scatter [tilespmem:s15], [sflag:$0x8], $0x4000, $0x38;
	[tilespmem:$0x10200] =	vst v63  }
0x29: {  	_ =	swait.ge [sflag:s9], $0x4000  }
0x2a: {  	s25 =	ssub.s32 $0x2, s24;
	[sflag:s9] =	ssyncset.done $0x0  }
0x2b: {  	s26 =	sshrl.u32 s25, $0x1;
	s23 =	simm.s32 $0x6;
	[sflag:s9] =	ssyncadd.s32 $0xFFFFC000  }
0x2c: {  	s25 =	ssub.s32 s25, s26;
	_ =	swait.ge [sflag:s23], $0x4000  }
0x2d: {  	s26 =	smax.u32 s25, $0x1;
	[sflag:s23] =	ssyncset.done $0x0  }
0x2e: {  	s24 =	simm.s32 $0x7;
	p0 =	sne.s32 s26, $0x1;
	[sflag:s23] =	ssyncadd.s32 $0xFFFFC000  }
.Ltmp0:
0x2f: {  	_ =	swait.ge [sflag:s24], $0x4000;
	(pc) =	sbr.rel @!p0 .LBB2_2-.Ltmp0, $4  }
0x30: {  	[sflag:s24] =	ssyncset.done $0x0  }
0x31: {  	s25 =	simm.s32 $0x8;
	[sflag:s24] =	ssyncadd.s32 $0xFFFFC000  }
0x32: {  	_ =	swait.ge [sflag:s25], $0x4000  }
0x33: {  	s26 =	sadd.s32 $0xFFFFFFFF, s26;
	[sflag:s25] =	ssyncset.done $0x0  }
.LBB2_1:
0x34: {  	p0 =	sne.s32 s26, $0x1;
	s26 =	sadd.s32 $0xFFFFFFFF, s26;
	[sflag:s25] =	ssyncadd.s32 $0xFFFFC000  }
0x35: {  	[tilespmem:s4], [sflag:$0x1] =	stream.linear.gather [hbm4b:s5+s4], $0x100, $0x38;
	[tilespmem:$0x10200] =	vst v63  }
0x36: {  	_ = 	snop  }
0x37: {  	[tilespmem:s7], [sflag:$0x5] =	stream.linear.gather [hbm4b:s6+s4], $0x100, $0x38;
	[tilespmem:$0x10200] =	vst v63  }
0x38: {  	_ =	swait.ge [sflag:s8], $0x100  }
0x39: {  	[sflag:s8] =	ssyncset.done $0x0  }
0x3a: {  	[sflag:s8] =	ssyncadd.s32 $0xFFFFFF00  }
0x3b: {  	_ =	swait.ge [sflag:s9], $0x100  }
0x3c: {  	[sflag:s9] =	ssyncset.done $0x0  }
0x3d: {  	[sflag:s9] =	ssyncadd.s32 $0xFFFFFF00  }
0x3e: {  	[tilespmem:s11], [sflag:$0x1] =	stream.indirect.gather [hbm4b:s1+s10], $0x80, s4, s10, $0xb8;
	[tilespmem:$0x10200] =	vst v63  }
0x3f: {  	_ = 	snop  }
0x40: {  	[tilespmem:s12], [sflag:$0x2] =	stream.indirect.gather [hbm4b:s1+s10], $0x80, s10, s10, $0xb8;
	[tilespmem:$0x10200] =	vst v63  }
0x41: {  	_ = 	snop  }
0x42: {  	[tilespmem:s13], [sflag:$0x3] =	stream.indirect.gather [hbm4b:s2+s10], $0x80, s7, s10, $0xb8;
	[tilespmem:$0x10200] =	vst v63  }
0x43: {  	_ = 	snop  }
0x44: {  	[tilespmem:s15], [sflag:$0x4] =	stream.indirect.gather [hbm4b:s2+s10], $0x80, s14, s10, $0xb8;
	[tilespmem:$0x10200] =	vst v63  }
0x45: {  	_ =	swait.ge [sflag:s8], $0x4000  }
0x46: {  	[sflag:s8] =	ssyncset.done $0x0  }
0x47: {  	[sflag:s8] =	ssyncadd.s32 $0xFFFFC000  }
0x48: {  	[hbm4b:s16+s4] =	stream.linear.scatter [tilespmem:s11], [sflag:$0x5], $0x4000, $0x38;
	[tilespmem:$0x10200] =	vst v63  }
0x49: {  	_ =	swait.ge [sflag:s17], $0x4000  }
0x4a: {  	[sflag:s17] =	ssyncset.done $0x0  }
0x4b: {  	[sflag:s17] =	ssyncadd.s32 $0xFFFFC000  }
0x4c: {  	[hbm4b:s18+s4] =	stream.linear.scatter [tilespmem:s12], [sflag:$0x6], $0x4000, $0x38;
	[tilespmem:$0x10200] =	vst v63  }
0x4d: {  	_ =	swait.ge [sflag:s19], $0x4000  }
0x4e: {  	[sflag:s19] =	ssyncset.done $0x0  }
0x4f: {  	[sflag:s19] =	ssyncadd.s32 $0xFFFFC000  }
0x50: {  	[hbm4b:s20+s4] =	stream.linear.scatter [tilespmem:s13], [sflag:$0x7], $0x4000, $0x38;
	[tilespmem:$0x10200] =	vst v63  }
0x51: {  	_ =	swait.ge [sflag:s21], $0x4000  }
0x52: {  	[sflag:s21] =	ssyncset.done $0x0  }
0x53: {  	[sflag:s21] =	ssyncadd.s32 $0xFFFFC000  }
0x54: {  	[hbm4b:s22+s4] =	stream.linear.scatter [tilespmem:s15], [sflag:$0x8], $0x4000, $0x38;
	[tilespmem:$0x10200] =	vst v63  }
0x55: {  	_ =	swait.ge [sflag:s9], $0x4000  }
0x56: {  	[sflag:s9] =	ssyncset.done $0x0  }
0x57: {  	[sflag:s9] =	ssyncadd.s32 $0xFFFFC000  }
0x58: {  	_ =	swait.ge [sflag:s23], $0x4000  }
0x59: {  	[sflag:s23] =	ssyncset.done $0x0  }
0x5a: {  	[sflag:s23] =	ssyncadd.s32 $0xFFFFC000  }
.Ltmp1:
0x5b: {  	_ =	swait.ge [sflag:s24], $0x4000;
	(pc) =	sbr.rel @p0 .LBB2_1-.Ltmp1, $4  }
0x5c: {  	[sflag:s24] =	ssyncset.done $0x0  }
0x5d: {  	[sflag:s24] =	ssyncadd.s32 $0xFFFFC000  }
0x5e: {  	_ =	swait.ge [sflag:s25], $0x4000  }
0x5f: {  	[sflag:s25] =	ssyncset.done $0x0  }
.LBB2_2:
0x60: {  	[sflag:s25] =	ssyncadd.s32 $0xFFFFC000  }
0x61: {  	_ =	sfence.sel $0x180000  }
0x62: {  	[bflag:$0x0] =	sbarrier.arrive $0xFFFF  }
0x63: {  	p0 =	sne.s32 s0, $0x0;
	_ =	strace $0x90000047  }
0x64: {  	s0 =	sadd.s32 @!p0 $0x100000, s3;
	[bflag:$0x2] =	sbarrier.arrive $0xFFFF  }
0x65: {  	[sflag:s0] =	ssyncadd.tile.s32 @!p0 $0x1;
	_ =	shalt  }
.Lfunc_end2:
_tile_overlayer_lowered:
.L_overlay_start_2:
0x66: {  	(tag) =	ssettag $0x2  }
0x67: {  	s0 =	rddreg [dreg:$0x0];
	s2 =	stileid.u32  }
0x68: {  	s1 =	rddreg [dreg:$0x1];
	p0 =	sne.s32 s2, $0x0  }
0x69: {  	s3 =	rddreg [dreg:$0x2];
	[bflag:$0x3] =	sbarrier.arrive $0xFFFF;
	s2 =	simm.s32 @!p0 $0x1C09  }
0x6a: {  	[timem:s3], [sflag:s2] =	dma.local @!p0 [hbm:s0], s1  }
0x6b: {  	s0 =	simm.s32 @!p0 $0x9  }
0x6c: {  	_ =	swait.ge @!p0 [sflag:s0], s1  }
0x6d: {  	s1 =	ssub.s32 @!p0 $0x0, s1;
	[sflag:s0] =	ssyncset.done @!p0 $0x0  }
0x6e: {  	[sflag:s0] =	ssyncadd.s32 @!p0 s1  }
0x6f: {  	[bflag:$0x3] =	sbarrier.arrive $0xFFFF  }
0x70: {  	_ =	shalt  }

// kernel: kernel.9.cloned.1.call-start
scs
__scs_entry_jumppad:
0x0: {  	(pc) =	sbr.rel $0x88, $3  }
0x1: {  	(tag) =	ssettag $0x0;
	lr =	simm.s32 $0x1  }
0x2: {  	[smem:$0x3F9B] =	sst lr;
	_ =	strace $0xD0000000  }
0x3: {  	_ = 	snop  }
0x4: {  	_ = 	snop  }
0x5: {  	_ = 	snop  }
0x6: {  	_ = 	snop  }
0x7: {  	_ = 	snop  }
__scs_overlays_trampoline_lowered:
0x8: {  	[smem:$0x3FAA] =	sst s0  }
0x9: {  	[smem:$0x3FAB] =	sst s1  }
0xa: {  	[smem:$0x3FAC] =	sst s2  }
0xb: {  	[smem:$0x3FAD] =	sst s3  }
0xc: {  	[smem:$0x3FAE] =	sst s4  }
0xd: {  	[smem:$0x3FAF] =	sst s5  }
0xe: {  	[smem:$0x3FB0] =	sst s6  }
0xf: {  	[smem:$0x3FB1] =	sst s7  }
0x10: {  	[smem:$0x3FB2] =	sst s8  }
0x11: {  	[smem:$0x3FB3] =	sst s9;
	s0 =	simm.s32 @!p0 $0x0  }
0x12: {  	s1 =	sld [smem:$0x3F99];
	s0 =	simm.s32 @p0 $0x1  }
0x13: {  	[smem:$0x3FB4] =	sst s0;
	s0 =	simm.s32 @!p1 $0x0  }
0x14: {  	s2 =	sld [smem:$0x3F98];
	s0 =	simm.s32 @p1 $0x1  }
0x15: {  	[smem:$0x3FB5] =	sst s0;
	s0 =	simm.s32 @!p2 $0x0  }
0x16: {  	s3 =	sld [smem:$0x3FDB];
	s0 =	simm.s32 @p2 $0x1  }
0x17: {  	s4 =	simm.s32 $0x1BF5;
	[smem:$0x3FB7] =	sst s0  }
0x18: {  	s0 =	sld [smem:$0x3F9A];
	_ =	swait.ge [sflag:s4], $0x0  }
0x19: {  	s7 =	sld [smem:$0x3F9B]  }
0x1a: {  	s8 =	sadd.s32 $0xFFFFE003, lr  }
0x1b: {  	s9 =	sadd.s32 $0xFFFFFEF7, lr;
	s5 =	simm.s32 $0xFFFFFFFF;
	p2 =	slt.u32 s8, $0xFFFFF086  }
0x1c: {  	p1 =	slt.u32 s9, $0xF7A;
	s5 =	simm.s32 @!p2 $0x0  }
0x1d: {  	s5 =	simm.s32 @p1 $0x1;
	p0 =	seq.s32 s7, s2  }
0x1e: {  	s7 =	smul.u32 @!p0 $0xF7A, s2;
	p2 =	seq.s32 @!p0 s5, $0x0  }
0x1f: {  	s9 =	smul.u32 $0xF7A, s1;
	s8 =	simm.s32 @!p0 $0x1BF5;
	p2 =	por !p2, p0  }
0x20: {  	[sflag:s8] =	ssyncset.s32 @!p0 $0xFFFFF086;
	s6 =	sadd.s32 @!p0 s3, s7;
	s7 =	simm.s32 @!p0 $0x108  }
0x21: {  	s3 =	sadd.s32 s3, s9;
	s6 =	sadd.s32 @!p0 $0x88, s6;
	s7 =	simm.s32 @p2 $0x1082  }
0x22: {  	[simem:s7], [sflag:s8] =	dma.local @!p0 [hbm:s6], $0xF7A  }
0x23: {  	s9 =	sor.u32 $0xD0000000, s2;
	s6 =	simm.s32 $0x108;
	_ =	swait.ge @!p0 [sflag:s8], $0x0  }
0x24: {  	s3 =	sadd.s32 $0x88, s3;
	s6 =	simm.s32 @!p1 $0x1082;
	[sflag:s4] =	ssyncset.s32 $0xFFFFF086  }
0x25: {  	[simem:s6], [sflag:s4] =	dma.local [hbm:s3], $0xF7A  }
0x26: {  	[smem:$0x3F9B] =	sst s1;
	(tag) =	ssettag s2;
	_ =	strace s9  }
0x27: {  	s1 =	sld [smem:$0x3FAB]  }
0x28: {  	s2 =	sld [smem:$0x3FAC]  }
0x29: {  	s4 =	sld [smem:$0x3FAE]  }
0x2a: {  	p0 =	seq.s32 s5, $0x0;
	s5 =	sld [smem:$0x3FAF]  }
0x2b: {  	s6 =	sld [smem:$0x3FB0]  }
0x2c: {  	s7 =	sld [smem:$0x3FB1]  }
0x2d: {  	s3 =	simm.s32 $0x108;
	s8 =	sld [smem:$0x3FB2]  }
0x2e: {  	s3 =	simm.s32 @!p0 $0x1082;
	s9 =	sld [smem:$0x3FB3]  }
0x2f: {  	lr =	sadd.s32 s0, s3;
	s0 =	sld [smem:$0x3FAA]  }
0x30: {  	s3 =	sld [smem:$0x3FAD]  }
0x31: {  	[smem:$0x3FB6] =	sst s10  }
0x32: {  	s10 =	sld [smem:$0x3FB4];
	_ =	sdelay $0x3  }
0x33: {  	p0 =	seq.s32 s10, $0x1;
	s10 =	sld [smem:$0x3FB6];
	_ =	sdelay $0x3  }
0x34: {  	[smem:$0x3FB6] =	sst s10  }
0x35: {  	s10 =	sld [smem:$0x3FB5];
	_ =	sdelay $0x3  }
0x36: {  	p1 =	seq.s32 s10, $0x1;
	s10 =	sld [smem:$0x3FB6];
	_ =	sdelay $0x3  }
0x37: {  	[smem:$0x3FB6] =	sst s10  }
0x38: {  	s10 =	sld [smem:$0x3FB7]  }
0x39: {  	_ = 	snop;
	(pc) =	sbr.ind lr, $3  }
0x3a: {  	_ = 	snop  }
0x3b: {  	_ = 	snop  }
0x3c: {  	p2 =	seq.s32 s10, $0x1;
	s10 =	sld [smem:$0x3FB6]  }
0x3d: {  	_ =	shalt  }
0x3e: {  	_ =	shalt  }
0x3f: {  	_ =	shalt  }
0x40: {  	_ =	shalt  }
0x41: {  	_ =	shalt  }
0x42: {  	_ =	shalt  }
0x43: {  	_ =	shalt  }
0x44: {  	_ =	shalt  }
0x45: {  	_ =	shalt  }
0x46: {  	_ =	shalt  }
0x47: {  	_ =	shalt  }
0x48: {  	_ =	shalt  }
0x49: {  	_ =	shalt  }
0x4a: {  	_ =	shalt  }
0x4b: {  	_ =	shalt  }
0x4c: {  	_ =	shalt  }
0x4d: {  	_ =	shalt  }
0x4e: {  	_ =	shalt  }
0x4f: {  	_ =	shalt  }
0x50: {  	_ =	shalt  }
0x51: {  	_ =	shalt  }
0x52: {  	_ =	shalt  }
0x53: {  	_ =	shalt  }
0x54: {  	_ =	shalt  }
0x55: {  	_ =	shalt  }
0x56: {  	_ =	shalt  }
0x57: {  	_ =	shalt  }
0x58: {  	_ =	shalt  }
0x59: {  	_ =	shalt  }
0x5a: {  	_ =	shalt  }
0x5b: {  	_ =	shalt  }
0x5c: {  	_ =	shalt  }
0x5d: {  	_ =	shalt  }
0x5e: {  	_ =	shalt  }
0x5f: {  	_ =	shalt  }
0x60: {  	_ =	shalt  }
0x61: {  	_ =	shalt  }
0x62: {  	_ =	shalt  }
0x63: {  	_ =	shalt  }
0x64: {  	_ =	shalt  }
0x65: {  	_ =	shalt  }
0x66: {  	_ =	shalt  }
0x67: {  	_ =	shalt  }
0x68: {  	_ =	shalt  }
0x69: {  	_ =	shalt  }
0x6a: {  	_ =	shalt  }
0x6b: {  	_ =	shalt  }
0x6c: {  	_ =	shalt  }
0x6d: {  	_ =	shalt  }
0x6e: {  	_ =	shalt  }
0x6f: {  	_ =	shalt  }
0x70: {  	_ =	shalt  }
0x71: {  	_ =	shalt  }
0x72: {  	_ =	shalt  }
0x73: {  	_ =	shalt  }
0x74: {  	_ =	shalt  }
0x75: {  	_ =	shalt  }
0x76: {  	_ =	shalt  }
0x77: {  	_ =	shalt  }
0x78: {  	_ =	shalt  }
0x79: {  	_ =	shalt  }
0x7a: {  	_ =	shalt  }
0x7b: {  	_ =	shalt  }
0x7c: {  	_ =	shalt  }
0x7d: {  	_ =	shalt  }
0x7e: {  	_ =	shalt  }
0x7f: {  	_ =	shalt  }
0x80: {  	_ =	shalt  }
0x81: {  	_ =	shalt  }
0x82: {  	_ =	shalt  }
0x83: {  	_ =	shalt  }
0x84: {  	_ =	shalt  }
0x85: {  	_ =	shalt  }
0x86: {  	_ =	shalt  }
0x87: {  	_ =	shalt  }
.Lfunc_end0:
.L_simem_size_0:
called_computation.1_lowered:
.L_overlay_start_0:
0x88: {  	s2 =	sld [smem:$0x3FD9]  }
0x89: {  	s3 =	sld [smem:$0x3FFE];
	_ =	sdelay $0x1  }
0x8a: {  	s1 =	srdreg.scid  }
0x8b: {  	s0 =	sand.u32 $0x1, s1  }
0x8c: {  	s17 =	sshll.u32 s0, $0xA;
	s2 =	sadd.s32 s3, s2  }
0x8d: {  	s2 =	sadd.s32 s2, s17  }
0x8e: {  	[smem:$0x3FC2] =	sst s2  }
0x8f: {  	_ = 	snop  }
0x90: {  	s18 =	sld [smem:$0x3FC9]  }
0x91: {  	s4 =	sld [smem:$0x3FC8]  }
0x92: {  	s5 =	sld [smem:$0x3FC7]  }
0x93: {  	s6 =	sld [smem:$0x3FC6];
	(tm) =	ssettm $0x1  }
0x94: {  	s19 =	sld [smem:$0x3FFB];
	_ =	sdelay $0x3  }
0x95: {  	_ =	strace s19  }
0x96: {  	s2 =	sld [smem:$0x3FFC];
	_ =	sdelay $0x3  }
0x97: {  	_ =	strace s2  }
0x98: {  	s2 =	sld [smem:$0x3FFD];
	_ =	sdelay $0x3  }
0x99: {  	_ =	strace s2  }
0x9a: {  	_ =	strace $0x8FFFFFFF  }
0x9b: {  	s20 =	sld [smem:$0x3FDB];
	_ =	sdelay $0x1  }
0x9c: {  	s7 =	simm.s32 $_scs_section_size  }
0x9d: {  	s8 =	simm.s32 $_size__tile_overlayer_lowered;
	s9 =	simm.s32 $_tile_overlayer_lowered  }
0x9e: {  	s10 =	simm.s32 $0x1BFF;
	s21 =	sshll.u32 s9, $0x1;
	s7 =	sadd.s32 s7, s20  }
0x9f: {  	s22 =	simm.s32 $0x0;
	s8 =	sshll.u32 s8, $0x1;
	s9 =	sadd.s32 s21, s7  }
0xa0: {  	[timem:s22], [sflag:s10] =	dma.local [hbm:s9], s8  }
0xa1: {  	_ =	swait.ge [sflag:s10], s8  }
0xa2: {  	s8 =	ssub.s32 $0x0, s8;
	[sflag:s10] =	ssyncset.done $0x0  }
0xa3: {  	[sflag:s10] =	ssyncadd.s32 s8;
	_ =	sdelay $0x1  }
0xa4: {  	s23 =	simm.s32 $0x1B8B  }
0xa5: {  	_ =	swait.ge [sflag:s23], $0x1  }
0xa6: {  	[sflag:s23] =	ssyncset.done $0x0  }
0xa7: {  	[sflag:s23] =	ssyncadd.s32 $0xFFFFFFFF  }
0xa8: {  	s8 =	sld [smem:$0x0]  }
0xa9: {  	s9 =	sand.u32 $0xFFFFFFFE, s1  }
0xaa: {  	p0 =	sne.s32 s1, s9  }
0xab: {  	s9 =	sshll.u32 @p0 s9, $0xE  }
0xac: {  	s9 =	sadd.s32 @p0 $0x11B8D, s9;
	s10 =	sshll.u32 @p0 s8, $0x11  }
0xad: {  	s9 =	sor.u32 @p0 s10, s9  }
0xae: {  	[sflag:s9] =	ssyncadd.remote.s32 @p0 $0x1;
	_ =	sdelay $0x1  }
0xaf: {  	s9 =	simm.s32 @p0 $0x1B8D  }
0xb0: {  	_ =	swait.eq @p0 [sflag:s9], $0x1  }
0xb1: {  	[sflag:s9] =	ssyncadd.s32 @p0 $0xFFFFFFFF  }
0xb2: {  	s10 =	sshll.u32 @!p0 s1, $0xE  }
0xb3: {  	s10 =	sor.u32 @!p0 $0x4000, s10;
	s9 =	simm.s32 @!p0 $0x1B8D  }
0xb4: {  	s8 =	sshll.u32 @!p0 s8, $0x11;
	s10 =	sadd.s32 @!p0 $0x11B8D, s10;
	_ =	swait.eq @!p0 [sflag:s9], $0x1  }
0xb5: {  	s8 =	sor.u32 @!p0 s8, s10;
	[sflag:s9] =	ssyncadd.s32 @!p0 $0xFFFFFFFF  }
0xb6: {  	s25 =	simm.s32 $0x1B8E;
	s24 =	sld [smem:$0x3FFE];
	[sflag:s8] =	ssyncadd.remote.s32 @!p0 $0x1  }
0xb7: {  	s26 =	simm.s32 $execute0_lowered;
	[smem:$0x3FD2] =	sst s25  }
0xb8: {  	s9 =	sshll.u32 s26, $0x1;
	_ =	strace $0x80000049;
	[dreg:$0x1] =	wrdreg $0xFFFFFFFF  }
0xb9: {  	s28 =	simm.s32 $_size_execute0_lowered;
	s7 =	sadd.s32 s7, s9;
	[dreg:$0x0] =	wrdreg $0x0  }
0xba: {  	s9 =	sshll.u32 s28, $0x1;
	[dreg:$0x2] =	wrdreg s7  }
0xbb: {  	[dreg:$0x3] =	wrdreg s9  }
0xbc: {  	[dreg:$0x4] =	wrdreg $0xC0  }
0xbd: {  	_ =	task [dreg:s22], $0x5FFFF  }
0xbe: {  	[dreg:$0x1] =	wrdreg $0xFFFFFFFF  }
0xbf: {  	[dreg:$0x0] =	wrdreg $0x60  }
0xc0: {  	[dreg:$0x2] =	wrdreg s5  }
0xc1: {  	[dreg:$0x3] =	wrdreg s6  }
0xc2: {  	[dreg:$0x4] =	wrdreg s18  }
0xc3: {  	[dreg:$0x5] =	wrdreg s4  }
0xc4: {  	[dreg:$0x6] =	wrdreg s24  }
0xc5: {  	[dreg:$0x7] =	wrdreg $0xA  }
0xc6: {  	_ =	task.clear_ibuf [dreg:s22], $0x8FFFF;
	_ =	strace $0x90000049  }
0xc7: {  	s29 =	simm.s32 $0xA;
	_ =	strace $0x8000004B  }
0xc8: {  	_ =	swait.ge [sflag:s29], $0x1  }
0xc9: {  	[sflag:s29] =	ssyncadd.s32 $0xFFFFFFFF  }
0xca: {  	_ =	strace $0x9000004B  }
0xcb: {  	_ =	sfence  }
0xcc: {  	s30 =	sld [smem:$0x0];
	_ =	sdelay $0x2  }
0xcd: {  	s31 =	sshll.u32 s1, $0xD;
	s1 =	sshrl.u32 s1, $0x2  }
0xce: {  	s4 =	sand.u32 $0x4000, s31;
	s1 =	sadd.s32 s1, s30  }
0xcf: {  	s0 =	sor.u32 s4, s0;
	s1 =	sshll.u32 s1, $0x11  }
0xd0: {  	s0 =	sor.u32 s1, s0  }
0xd1: {  	s0 =	sadd.s32 $0x8F2B, s0  }
0xd2: {  	[sflag:s0] =	ssyncadd.remote.s32 $0x1  }
0xd3: {  	_ =	sfence.sel $0xFFFF  }
0xd4: {  	[dreg:$0x0] =	wrdreg $0xFFFFFFFF;
	(pc) =	sbr.abs _section_cstart, $3  }
0xd5: {  	[dreg:$0x1] =	wrdreg $0xFFFFFFFF  }
0xd6: {  	_ =	task.clear_ibuf [dreg:s22], $0x2FFFF;
	_ =	strace $0x9FFFFFFF  }
0xd7: {  	(tm) =	ssettm $0x7FFFFFFF  }
tec
execute0_lowered:
.L_overlay_start_1:
0x0: {  	(tag) =	ssettag $0x1  }
0x1: {  	s1 =	rddreg [dreg:$0x0]  }
0x2: {  	s2 =	rddreg [dreg:$0x1]  }
0x3: {  	s3 =	srdreg.scid;
	s0 =	stileid.u32  }
0x4: {  	s5 =	rddreg [dreg:$0x2];
	s24 =	sand.u32 $0x1, s3;
	s31 =	sshll.u32 s0, $0x1  }
0x5: {  	s6 =	rddreg [dreg:$0x3];
	s16 =	sor.u32 s24, s31  }
0x6: {  	s20 =	rddreg [dreg:$0x4];
	s4 =	simm.s32 $0x0;
	s7 =	sshll.u32 s16, $0x5  }
0x7: {  	[smem:$0x7FF] =	sst s4;
	s7 =	sor.u32 $0x400, s7  }
0x8: {  	s3 =	rddreg [dreg:$0x5];
	_ =	strace $0x8000004A;
	s5 =	sadd.s32 s5, s7  }
0x9: {  	[tilespmem:s4], [sflag:$0x1] =	stream.linear.gather [hbm4b:s5+s4], $0x100, $0x38;
	[tilespmem:$0x10200] =	vst v63  }
0xa: {  	s8 =	simm.s32 $0x1;
	s6 =	sadd.s32 s6, s7;
	s7 =	simm.s32 $0x100  }
0xb: {  	[tilespmem:s7], [sflag:$0x5] =	stream.linear.gather [hbm4b:s6+s4], $0x100, $0x38;
	[tilespmem:$0x10200] =	vst v63  }
0xc: {  	_ =	swait.ge [sflag:s8], $0x100  }
0xd: {  	[sflag:s8] =	ssyncset.done $0x0  }
0xe: {  	s9 =	simm.s32 $0x5;
	[sflag:s8] =	ssyncadd.s32 $0xFFFFFF00  }
0xf: {  	_ =	swait.ge [sflag:s9], $0x100  }
0x10: {  	[sflag:s9] =	ssyncset.done $0x0  }
0x11: {  	s10 =	simm.s32 $0x80;
	s11 =	simm.s32 $0x200;
	[sflag:s9] =	ssyncadd.s32 $0xFFFFFF00  }
0x12: {  	[tilespmem:s11], [sflag:$0x1] =	stream.indirect.gather [hbm4b:s1+s10], $0x80, s4, s10, $0xb8;
	[tilespmem:$0x10200] =	vst v63  }
0x13: {  	s12 =	simm.s32 $0x4200  }
0x14: {  	[tilespmem:s12], [sflag:$0x2] =	stream.indirect.gather [hbm4b:s1+s10], $0x80, s10, s10, $0xb8;
	[tilespmem:$0x10200] =	vst v63  }
0x15: {  	s13 =	simm.s32 $0x8200  }
0x16: {  	[tilespmem:s13], [sflag:$0x3] =	stream.indirect.gather [hbm4b:s2+s10], $0x80, s7, s10, $0xb8;
	[tilespmem:$0x10200] =	vst v63  }
0x17: {  	s14 =	simm.s32 $0x180;
	s15 =	simm.s32 $0xC200  }
0x18: {  	[tilespmem:s15], [sflag:$0x4] =	stream.indirect.gather [hbm4b:s2+s10], $0x80, s14, s10, $0xb8;
	[tilespmem:$0x10200] =	vst v63  }
0x19: {  	_ =	swait.ge [sflag:s8], $0x4000  }
0x1a: {  	s18 =	sadd.s32 $0x41C00, s20;
	s21 =	sshll.u32 s16, $0xC;
	[sflag:s8] =	ssyncset.done $0x0  }
0x1b: {  	s17 =	simm.s32 $0x2;
	s16 =	sadd.s32 s18, s21;
	[sflag:s8] =	ssyncadd.s32 $0xFFFFC000  }
0x1c: {  	[hbm4b:s16+s4] =	stream.linear.scatter [tilespmem:s11], [sflag:$0x5], $0x4000, $0x38;
	[tilespmem:$0x10200] =	vst v63  }
0x1d: {  	_ =	swait.ge [sflag:s17], $0x4000  }
0x1e: {  	s22 =	sor.u32 $0x800, s21;
	[sflag:s17] =	ssyncset.done $0x0  }
0x1f: {  	s19 =	simm.s32 $0x3;
	s18 =	sadd.s32 s18, s22;
	[sflag:s17] =	ssyncadd.s32 $0xFFFFC000  }
0x20: {  	[hbm4b:s18+s4] =	stream.linear.scatter [tilespmem:s12], [sflag:$0x6], $0x4000, $0x38;
	[tilespmem:$0x10200] =	vst v63  }
0x21: {  	_ =	swait.ge [sflag:s19], $0x4000  }
0x22: {  	s23 =	sadd.s32 $0x61C00, s20;
	[sflag:s19] =	ssyncset.done $0x0  }
0x23: {  	s20 =	sadd.s32 s23, s21;
	s21 =	simm.s32 $0x4;
	[sflag:s19] =	ssyncadd.s32 $0xFFFFC000  }
0x24: {  	[hbm4b:s20+s4] =	stream.linear.scatter [tilespmem:s13], [sflag:$0x7], $0x4000, $0x38;
	[tilespmem:$0x10200] =	vst v63  }
0x25: {  	_ =	swait.ge [sflag:s21], $0x4000  }
0x26: {  	[sflag:s21] =	ssyncset.done $0x0  }
0x27: {  	s22 =	sadd.s32 s23, s22;
	[sflag:s21] =	ssyncadd.s32 $0xFFFFC000  }
0x28: {  	[hbm4b:s22+s4] =	stream.linear.scatter [tilespmem:s15], [sflag:$0x8], $0x4000, $0x38;
	[tilespmem:$0x10200] =	vst v63  }
0x29: {  	_ =	swait.ge [sflag:s9], $0x4000  }
0x2a: {  	s25 =	ssub.s32 $0x2, s24;
	[sflag:s9] =	ssyncset.done $0x0  }
0x2b: {  	s26 =	sshrl.u32 s25, $0x1;
	s23 =	simm.s32 $0x6;
	[sflag:s9] =	ssyncadd.s32 $0xFFFFC000  }
0x2c: {  	s25 =	ssub.s32 s25, s26;
	_ =	swait.ge [sflag:s23], $0x4000  }
0x2d: {  	s26 =	smax.u32 s25, $0x1;
	[sflag:s23] =	ssyncset.done $0x0  }
0x2e: {  	s24 =	simm.s32 $0x7;
	p0 =	sne.s32 s26, $0x1;
	[sflag:s23] =	ssyncadd.s32 $0xFFFFC000  }
.Ltmp0:
0x2f: {  	_ =	swait.ge [sflag:s24], $0x4000;
	(pc) =	sbr.rel @!p0 .LBB2_2-.Ltmp0, $4  }
0x30: {  	[sflag:s24] =	ssyncset.done $0x0  }
0x31: {  	s25 =	simm.s32 $0x8;
	[sflag:s24] =	ssyncadd.s32 $0xFFFFC000  }
0x32: {  	_ =	swait.ge [sflag:s25], $0x4000  }
0x33: {  	s26 =	sadd.s32 $0xFFFFFFFF, s26;
	[sflag:s25] =	ssyncset.done $0x0  }
.LBB2_1:
0x34: {  	p0 =	sne.s32 s26, $0x1;
	s26 =	sadd.s32 $0xFFFFFFFF, s26;
	[sflag:s25] =	ssyncadd.s32 $0xFFFFC000  }
0x35: {  	[tilespmem:s4], [sflag:$0x1] =	stream.linear.gather [hbm4b:s5+s4], $0x100, $0x38;
	[tilespmem:$0x10200] =	vst v63  }
0x36: {  	_ = 	snop  }
0x37: {  	[tilespmem:s7], [sflag:$0x5] =	stream.linear.gather [hbm4b:s6+s4], $0x100, $0x38;
	[tilespmem:$0x10200] =	vst v63  }
0x38: {  	_ =	swait.ge [sflag:s8], $0x100  }
0x39: {  	[sflag:s8] =	ssyncset.done $0x0  }
0x3a: {  	[sflag:s8] =	ssyncadd.s32 $0xFFFFFF00  }
0x3b: {  	_ =	swait.ge [sflag:s9], $0x100  }
0x3c: {  	[sflag:s9] =	ssyncset.done $0x0  }
0x3d: {  	[sflag:s9] =	ssyncadd.s32 $0xFFFFFF00  }
0x3e: {  	[tilespmem:s11], [sflag:$0x1] =	stream.indirect.gather [hbm4b:s1+s10], $0x80, s4, s10, $0xb8;
	[tilespmem:$0x10200] =	vst v63  }
0x3f: {  	_ = 	snop  }
0x40: {  	[tilespmem:s12], [sflag:$0x2] =	stream.indirect.gather [hbm4b:s1+s10], $0x80, s10, s10, $0xb8;
	[tilespmem:$0x10200] =	vst v63  }
0x41: {  	_ = 	snop  }
0x42: {  	[tilespmem:s13], [sflag:$0x3] =	stream.indirect.gather [hbm4b:s2+s10], $0x80, s7, s10, $0xb8;
	[tilespmem:$0x10200] =	vst v63  }
0x43: {  	_ = 	snop  }
0x44: {  	[tilespmem:s15], [sflag:$0x4] =	stream.indirect.gather [hbm4b:s2+s10], $0x80, s14, s10, $0xb8;
	[tilespmem:$0x10200] =	vst v63  }
0x45: {  	_ =	swait.ge [sflag:s8], $0x4000  }
0x46: {  	[sflag:s8] =	ssyncset.done $0x0  }
0x47: {  	[sflag:s8] =	ssyncadd.s32 $0xFFFFC000  }
0x48: {  	[hbm4b:s16+s4] =	stream.linear.scatter [tilespmem:s11], [sflag:$0x5], $0x4000, $0x38;
	[tilespmem:$0x10200] =	vst v63  }
0x49: {  	_ =	swait.ge [sflag:s17], $0x4000  }
0x4a: {  	[sflag:s17] =	ssyncset.done $0x0  }
0x4b: {  	[sflag:s17] =	ssyncadd.s32 $0xFFFFC000  }
0x4c: {  	[hbm4b:s18+s4] =	stream.linear.scatter [tilespmem:s12], [sflag:$0x6], $0x4000, $0x38;
	[tilespmem:$0x10200] =	vst v63  }
0x4d: {  	_ =	swait.ge [sflag:s19], $0x4000  }
0x4e: {  	[sflag:s19] =	ssyncset.done $0x0  }
0x4f: {  	[sflag:s19] =	ssyncadd.s32 $0xFFFFC000  }
0x50: {  	[hbm4b:s20+s4] =	stream.linear.scatter [tilespmem:s13], [sflag:$0x7], $0x4000, $0x38;
	[tilespmem:$0x10200] =	vst v63  }
0x51: {  	_ =	swait.ge [sflag:s21], $0x4000  }
0x52: {  	[sflag:s21] =	ssyncset.done $0x0  }
0x53: {  	[sflag:s21] =	ssyncadd.s32 $0xFFFFC000  }
0x54: {  	[hbm4b:s22+s4] =	stream.linear.scatter [tilespmem:s15], [sflag:$0x8], $0x4000, $0x38;
	[tilespmem:$0x10200] =	vst v63  }
0x55: {  	_ =	swait.ge [sflag:s9], $0x4000  }
0x56: {  	[sflag:s9] =	ssyncset.done $0x0  }
0x57: {  	[sflag:s9] =	ssyncadd.s32 $0xFFFFC000  }
0x58: {  	_ =	swait.ge [sflag:s23], $0x4000  }
0x59: {  	[sflag:s23] =	ssyncset.done $0x0  }
0x5a: {  	[sflag:s23] =	ssyncadd.s32 $0xFFFFC000  }
.Ltmp1:
0x5b: {  	_ =	swait.ge [sflag:s24], $0x4000;
	(pc) =	sbr.rel @p0 .LBB2_1-.Ltmp1, $4  }
0x5c: {  	[sflag:s24] =	ssyncset.done $0x0  }
0x5d: {  	[sflag:s24] =	ssyncadd.s32 $0xFFFFC000  }
0x5e: {  	_ =	swait.ge [sflag:s25], $0x4000  }
0x5f: {  	[sflag:s25] =	ssyncset.done $0x0  }
.LBB2_2:
0x60: {  	[sflag:s25] =	ssyncadd.s32 $0xFFFFC000  }
0x61: {  	_ =	sfence.sel $0x180000  }
0x62: {  	[bflag:$0x0] =	sbarrier.arrive $0xFFFF  }
0x63: {  	p0 =	sne.s32 s0, $0x0;
	_ =	strace $0x9000004A  }
0x64: {  	s0 =	sadd.s32 @!p0 $0x100000, s3;
	[bflag:$0x2] =	sbarrier.arrive $0xFFFF  }
0x65: {  	[sflag:s0] =	ssyncadd.tile.s32 @!p0 $0x1;
	_ =	shalt  }
.Lfunc_end2:
_tile_overlayer_lowered:
.L_overlay_start_2:
0x66: {  	(tag) =	ssettag $0x2  }
0x67: {  	s0 =	rddreg [dreg:$0x0];
	s2 =	stileid.u32  }
0x68: {  	s1 =	rddreg [dreg:$0x1];
	p0 =	sne.s32 s2, $0x0  }
0x69: {  	s3 =	rddreg [dreg:$0x2];
	[bflag:$0x3] =	sbarrier.arrive $0xFFFF;
	s2 =	simm.s32 @!p0 $0x1C09  }
0x6a: {  	[timem:s3], [sflag:s2] =	dma.local @!p0 [hbm:s0], s1  }
0x6b: {  	s0 =	simm.s32 @!p0 $0x9  }
0x6c: {  	_ =	swait.ge @!p0 [sflag:s0], s1  }
0x6d: {  	s1 =	ssub.s32 @!p0 $0x0, s1;
	[sflag:s0] =	ssyncset.done @!p0 $0x0  }
0x6e: {  	[sflag:s0] =	ssyncadd.s32 @!p0 s1  }
0x6f: {  	[bflag:$0x3] =	sbarrier.arrive $0xFFFF  }
0x70: {  	_ =	shalt  }

</sc_bundles>
